<compile_context>
chip_gen: v7x
topology: tpu7x:2x2x1
jax: 0.10.2.dev20260603
libtpu: 0.0.44.dev20260713+nightly
codegen_flags: <defaults>
</compile_context>

<pallas_src>
import functools

import jax
import jax.numpy as jnp
from jax import lax
from jax.experimental import pallas as pl
from jax.experimental.pallas import tpu as pltpu
from jax.experimental.pallas import tpu_sc as plsc

_T, _N, _C, _PS = 2, 65536, 3, 7
_H, _W = 256, 256
_HW = _H * _W
_SW = _W - _PS + 1
_PP = _PS * _PS
_ROW = _C * _PP
_NCOMBO = _T * _C
_SUBS = 5
_NWORK = _NCOMBO * _SUBS
_CHUNK = 256
_NCHUNKS = _N // _CHUNK
_C0 = (0, 52, 103, 154, 205)
_QB = 52 * _CHUNK
_UNROLL = 8


def _sc_body(patches_hbm, qstart_hbm, part_hbm, canvas, pbufa, pbufb, pbufc,
             qbuf, sema, semb, semc):
    cid = lax.axis_index("c")
    sid = lax.axis_index("s")
    wid = sid * 2 + cid

    zero16 = jnp.zeros((16,), jnp.float32)

    @plsc.parallel_loop(0, _HW, step=16, unroll=8)
    def _zero(i):
        canvas[pl.ds(i, 16)] = zero16

    @pl.when(wid < _NWORK)
    def _work():
        plane = wid // _SUBS
        sub = wid % _SUBS
        t = plane // _C
        ch = plane % _C

        iota = lax.iota(jnp.int32, 16)
        seven = jnp.full((16,), 7, jnp.int32)
        offv = []
        for k in range(4):
            o = iota + (k * 16)
            offv.append(lax.div(o, seven) * _W + lax.rem(o, seven))
        m3 = (iota + 48) < _PP

        c0 = jnp.int32(0)
        for s in range(1, _SUBS):
            c0 = jnp.where(sub == s, jnp.int32(_C0[s]), c0)
        c1 = jnp.int32(_NCHUNKS)
        for s in range(_SUBS - 1):
            c1 = jnp.where(sub == s, jnp.int32(_C0[s + 1]), c1)

        s0 = jnp.minimum(c0 * _CHUNK, jnp.int32(_N - _QB))
        pltpu.sync_copy(qstart_hbm.at[pl.ds(s0, _QB)], qbuf)

        @plsc.parallel_loop(0, _QB, step=16, unroll=8)
        def _bases(i):
            qv = qbuf[pl.ds(i, 16)]
            qu = qv.astype(jnp.uint32)
            hi = ((qu * jnp.uint32(67109)) >> jnp.uint32(24)).astype(jnp.int32)
            qbuf[pl.ds(i, 16)] = qv + 6 * hi

        def dma(cix, buf, sem):
            return pltpu.make_async_copy(
                patches_hbm.at[
                    t, pl.ds(ch * _PP, _PP), 0, pl.ds(cix * _CHUNK, _CHUNK)
                ],
                buf,
                sem,
            )

        def compute(cix, buf):
            base_off = cix * _CHUNK - s0

            @plsc.parallel_loop(0, _CHUNK, step=1, unroll=_UNROLL)
            def _patches(j):
                jv = jnp.full((16,), j, jnp.int32)
                bspl = plsc.load_gather(qbuf, [jv + base_off])
                for k in range(3):
                    vals = plsc.load_gather(buf, [iota + (k * 16), jv])
                    plsc.addupdate_scatter(canvas, [bspl + offv[k]], vals)
                vals = plsc.load_gather(buf, [iota + 48, jv], mask=m3)
                plsc.addupdate_scatter(canvas, [bspl + offv[3]], vals, mask=m3)

        bufs = (pbufa, pbufb, pbufc)
        sems = (sema, semb, semc)

        dma(c0, pbufa, sema).start()

        @pl.when(c0 + 1 < c1)
        def _():
            dma(c0 + 1, pbufb, semb).start()

        def tri_body(i3, carry):
            base = c0 + 3 * i3
            for p in range(3):
                cp = base + p
                buf, sem = bufs[p], sems[p]
                nxt = bufs[(p + 2) % 3], sems[(p + 2) % 3]

                def phase(cp=cp, buf=buf, sem=sem, nxt=nxt):
                    dma(cp, buf, sem).wait()

                    @pl.when(cp + 2 < c1)
                    def _():
                        dma(cp + 2, nxt[0], nxt[1]).start()

                    compute(cp, buf)

                if p == 0:
                    phase()
                else:
                    pl.when(cp < c1)(phase)
            return carry

        ntri = (c1 - c0 + 2) // 3
        lax.fori_loop(0, ntri, tri_body, 0)
        pltpu.sync_copy(canvas, part_hbm.at[wid])


_scatter_sc = functools.partial(
    pl.kernel,
    out_type=jax.ShapeDtypeStruct((_NWORK, _HW), jnp.float32),
    mesh=plsc.VectorSubcoreMesh(core_axis_name="c", subcore_axis_name="s"),
    compiler_params=pltpu.CompilerParams(needs_layout_passes=False),
    scratch_types=[
        pltpu.VMEM((_HW,), jnp.float32),
        pltpu.VMEM((_PP, _CHUNK), jnp.float32),
        pltpu.VMEM((_PP, _CHUNK), jnp.float32),
        pltpu.VMEM((_PP, _CHUNK), jnp.float32),
        pltpu.VMEM((_QB,), jnp.int32),
        pltpu.SemaphoreType.DMA,
        pltpu.SemaphoreType.DMA,
        pltpu.SemaphoreType.DMA,
    ],
)(_sc_body)


def _reduce_body(p_ref, o_ref):
    o_ref[...] = jnp.sum(p_ref[...], axis=1)


def kernel(patches, qstart):
    pt = jnp.transpose(patches.reshape(_T, _N, _ROW), (0, 2, 1))
    partials = _scatter_sc(pt.reshape(_T, _ROW, 1, _N), qstart)
    p4 = partials.reshape(_NCOMBO, _SUBS, _HW // 128, 128)
    vid6 = pl.pallas_call(
        _reduce_body,
        grid=(_NCOMBO,),
        in_specs=[
            pl.BlockSpec((1, _SUBS, _HW // 128, 128), lambda i: (i, 0, 0, 0))
        ],
        out_specs=pl.BlockSpec((1, _HW // 128, 128), lambda i: (i, 0, 0)),
        out_shape=jax.ShapeDtypeStruct((_NCOMBO, _HW // 128, 128), jnp.float32),
    )(p4)
    return vid6.reshape(_T, _C, _H, _W)

# --- scband reference (transcript-rebuilt; emitter-appended) ---
"""Pipeline reference for scband-aggregation0-53919019434684 (READ-ONLY COPY).

The authoritative reference and input builder live on the scoring server;
editing this copy changes nothing except your own understanding.
"""

import jax, jax.numpy as jnp
import numpy as np

T, N, C, PS, H, W = 2, 65536, 3, 7, 256, 256
NPOS = (H - PS + 1) * (W - PS + 1)


def setup_inputs(seed: int = 0) -> dict:
    key = jax.random.key(seed)
    k1, k2 = jax.random.split(key)
    patches = jax.random.normal(k1, (T, N, 1, C * PS * PS), dtype=jnp.float32)
    qstart = jax.random.randint(k2, (N,), 0, NPOS, dtype=jnp.int32)
    return {"patches": patches, "qstart": qstart}


def reference(patches, qstart):
    # Faithful translation of Aggregation0.batched_fwd_a:
    # rearrange 't n 1 (c h w) -> (t n) 1 1 c h w' then fold (scatter-add of
    # overlapping patches into the video canvas) plus a weight-accumulation fold
    # of ones (wvid). Returns the (unnormalized) folded video, as the torch code does.
    p = patches.reshape(T, N, C, PS, PS)
    stride_w = W - PS + 1
    hi = qstart // stride_w
    wi = qstart % stride_w
    d = jnp.arange(PS)
    rows = hi[:, None, None] + d[None, :, None]          # [N, PS, PS]
    cols = wi[:, None, None] + d[None, None, :]          # [N, PS, PS]
    flat_idx = (rows * W + cols).reshape(-1)             # [N*PS*PS]
    vals = jnp.transpose(p, (0, 2, 1, 3, 4)).reshape(T, C, N * PS * PS)
    vid = jnp.zeros((T, C, H * W), dtype=patches.dtype).at[:, :, flat_idx].add(vals)
    ones_vals = jnp.ones((T, 1, N * PS * PS), dtype=patches.dtype)
    wvid = jnp.zeros((T, 1, H * W), dtype=patches.dtype).at[:, :, flat_idx].add(ones_vals)
    del wvid  # computed (as in torch code) but not returned
    return vid.reshape(T, C, H, W)

if __name__ == "__main__":
    import jax
    _d = setup_inputs()
    print(jax.jit(kernel)(*tuple(_d.values())))

</pallas_src>

<mosaic_0001>
#map = affine_map<(d0, d1) -> (0, 0, 0, 0)>
#map1 = affine_map<(d0, d1) -> (0)>
#map2 = affine_map<(d0, d1) -> (0, 0)>
module attributes {stable_mosaic.version = 14 : i64} {
  func.func @_sc_body(%arg0: i32, %arg1: i32, %arg2: memref<2x147x1x65536xf32, #tpu.memory_space<hbm>>, %arg3: memref<65536xi32, #tpu.memory_space<hbm>>, %arg4: memref<30x65536xf32, #tpu.memory_space<hbm>>, %arg5: memref<65536xf32, #tpu.memory_space<vmem>>, %arg6: memref<49x256xf32, #tpu.memory_space<vmem>>, %arg7: memref<49x256xf32, #tpu.memory_space<vmem>>, %arg8: memref<49x256xf32, #tpu.memory_space<vmem>>, %arg9: memref<13312xi32, #tpu.memory_space<vmem>>, %arg10: memref<!tpu.dma_semaphore, #tpu.memory_space<semaphore_mem>>, %arg11: memref<!tpu.dma_semaphore, #tpu.memory_space<semaphore_mem>>, %arg12: memref<!tpu.dma_semaphore, #tpu.memory_space<semaphore_mem>>) attributes {dimension_semantics = [#tpu.dimension_semantics<core_parallel>, #tpu.dimension_semantics<subcore_parallel>], iteration_bounds = array<i64: 2, 16>, scalar_prefetch = 0 : i64, scratch_operands = 8 : i64, tpu.core_type = #tpu.core_type<sc_vector_subcore>, window_params = [{transform_indices = #map}, {transform_indices = #map1}, {transform_indices = #map2}]} {
    %mul3A = arith.constant 2 : i32
    %mul3A_0 = arith.muli %arg1, %mul3A : i32
    %add3A = arith.addi %mul3A_0, %arg0 : i32
    %broadcast_in_dim3A = arith.constant 0.000000e+00 : f32
    %broadcast_in_dim3A_1 = vector.broadcast %broadcast_in_dim3A : f32 to vector<16xf32>
    %parallel_loop3A = arith.constant 0 : i32
    %parallel_loop3A_2 = arith.constant 65536 : i32
    %parallel_loop3A_3 = arith.constant 16 : i32
    scf.for %parallel_loop3A_6 = %parallel_loop3A to %parallel_loop3A_2 step %parallel_loop3A_3  : i32 {
      %parallel_loop3A_7 = arith.index_cast %parallel_loop3A_6 : i32 to index
      %parallel_loop3A_8 = tpu.vector_load %arg5[%parallel_loop3A_7] {strides = array<i32>} : memref<65536xf32, #tpu.memory_space<vmem>>, vector<16xf32>,
      tpu.vector_store %arg5[%parallel_loop3A_7], %broadcast_in_dim3A_1 {strides = array<i32>} : memref<65536xf32, #tpu.memory_space<vmem>>, vector<16xf32>,
    } {sc.loop_unroll_factor = 8 : i64, sc.parallel_access}
    %lt3A = arith.constant 30 : i32
    %lt3A_4 = arith.cmpi slt, %add3A, %lt3A : i32
    %convert_element_type3A = arith.extui %lt3A_4 : i1 to i32
    %cond3A = arith.constant 0 : i32
    %cond3A_5 = arith.cmpi ne, %convert_element_type3A, %cond3A : i32
    scf.if %cond3A_5 {
      %jit3A = arith.constant 5 : i32
      %div3A = arith.divsi %add3A, %jit3A : i32
      %sign3A = arith.constant 0 : i32
      %sign3A_6 = arith.cmpi sgt, %add3A, %sign3A : i32
      %sign3A_7 = arith.extui %sign3A_6 : i1 to i32
      %sign3A_8 = arith.constant 0 : i32
      %sign3A_9 = arith.cmpi slt, %add3A, %sign3A_8 : i32
      %sign3A_10 = arith.extui %sign3A_9 : i1 to i32
      %sign3A_11 = arith.subi %sign3A_7, %sign3A_10 : i32
      %sign3A_12 = arith.constant 0 : i32
      %sign3A_13 = arith.cmpi sgt, %jit3A, %sign3A_12 : i32
      %sign3A_14 = arith.extui %sign3A_13 : i1 to i32
      %sign3A_15 = arith.constant 0 : i32
      %sign3A_16 = arith.cmpi slt, %jit3A, %sign3A_15 : i32
      %sign3A_17 = arith.extui %sign3A_16 : i1 to i32
      %sign3A_18 = arith.subi %sign3A_14, %sign3A_17 : i32
      %ne3A = arith.cmpi ne, %sign3A_11, %sign3A_18 : i32
      %rem3A = arith.remsi %add3A, %jit3A : i32
      %ne3A_19 = arith.constant 0 : i32
      %ne3A_20 = arith.cmpi ne, %rem3A, %ne3A_19 : i32
      %and3A = arith.andi %ne3A, %ne3A_20 : i1
      %sub3A = arith.constant 1 : i32
      %sub3A_21 = arith.subi %div3A, %sub3A : i32
      %select_n3A = arith.select %and3A, %sub3A_21, %div3A : i32
      %jit3A_22 = arith.constant 5 : i32
      %eq3A = arith.constant 0 : i32
      %eq3A_23 = arith.cmpi eq, %jit3A_22, %eq3A : i32
      %jit3A_24 = arith.constant 1 : i32
      %select_n3A_25 = arith.select %eq3A_23, %jit3A_24, %jit3A_22 : i32
      %rem3A_26 = arith.remsi %add3A, %select_n3A_25 : i32
      %ne3A_27 = arith.constant 0 : i32
      %ne3A_28 = arith.cmpi ne, %rem3A_26, %ne3A_27 : i32
      %lt3A_29 = arith.constant 0 : i32
      %lt3A_30 = arith.cmpi slt, %rem3A_26, %lt3A_29 : i32
      %lt3A_31 = arith.constant 0 : i32
      %lt3A_32 = arith.cmpi slt, %select_n3A_25, %lt3A_31 : i32
      %ne3A_33 = arith.xori %lt3A_30, %lt3A_32 : i1
      %and3A_34 = arith.andi %ne3A_33, %ne3A_28 : i1
      %add3A_35 = arith.addi %rem3A_26, %select_n3A_25 : i32
      %select_n3A_36 = arith.select %and3A_34, %add3A_35, %rem3A_26 : i32
      %jit3A_37 = arith.constant 3 : i32
      %div3A_38 = arith.divsi %select_n3A, %jit3A_37 : i32
      %sign3A_39 = arith.constant 0 : i32
      %sign3A_40 = arith.cmpi sgt, %select_n3A, %sign3A_39 : i32
      %sign3A_41 = arith.extui %sign3A_40 : i1 to i32
      %sign3A_42 = arith.constant 0 : i32
      %sign3A_43 = arith.cmpi slt, %select_n3A, %sign3A_42 : i32
      %sign3A_44 = arith.extui %sign3A_43 : i1 to i32
      %sign3A_45 = arith.subi %sign3A_41, %sign3A_44 : i32
      %sign3A_46 = arith.constant 0 : i32
      %sign3A_47 = arith.cmpi sgt, %jit3A_37, %sign3A_46 : i32
      %sign3A_48 = arith.extui %sign3A_47 : i1 to i32
      %sign3A_49 = arith.constant 0 : i32
      %sign3A_50 = arith.cmpi slt, %jit3A_37, %sign3A_49 : i32
      %sign3A_51 = arith.extui %sign3A_50 : i1 to i32
      %sign3A_52 = arith.subi %sign3A_48, %sign3A_51 : i32
      %ne3A_53 = arith.cmpi ne, %sign3A_45, %sign3A_52 : i32
      %rem3A_54 = arith.remsi %select_n3A, %jit3A_37 : i32
      %ne3A_55 = arith.constant 0 : i32
      %ne3A_56 = arith.cmpi ne, %rem3A_54, %ne3A_55 : i32
      %and3A_57 = arith.andi %ne3A_53, %ne3A_56 : i1
      %sub3A_58 = arith.constant 1 : i32
      %sub3A_59 = arith.subi %div3A_38, %sub3A_58 : i32
      %select_n3A_60 = arith.select %and3A_57, %sub3A_59, %div3A_38 : i32
      %jit3A_61 = arith.constant 3 : i32
      %eq3A_62 = arith.constant 0 : i32
      %eq3A_63 = arith.cmpi eq, %jit3A_61, %eq3A_62 : i32
      %jit3A_64 = arith.constant 1 : i32
      %select_n3A_65 = arith.select %eq3A_63, %jit3A_64, %jit3A_61 : i32
      %rem3A_66 = arith.remsi %select_n3A, %select_n3A_65 : i32
      %ne3A_67 = arith.constant 0 : i32
      %ne3A_68 = arith.cmpi ne, %rem3A_66, %ne3A_67 : i32
      %lt3A_69 = arith.constant 0 : i32
      %lt3A_70 = arith.cmpi slt, %rem3A_66, %lt3A_69 : i32
      %lt3A_71 = arith.constant 0 : i32
      %lt3A_72 = arith.cmpi slt, %select_n3A_65, %lt3A_71 : i32
      %ne3A_73 = arith.xori %lt3A_70, %lt3A_72 : i1
      %and3A_74 = arith.andi %ne3A_73, %ne3A_68 : i1
      %add3A_75 = arith.addi %rem3A_66, %select_n3A_65 : i32
      %select_n3A_76 = arith.select %and3A_74, %add3A_75, %rem3A_66 : i32
      %iota3A = tpu.iota {dimensions = array<i32: 0>} : vector<16xi32>
      %broadcast_in_dim3A_77 = arith.constant 7 : i32
      %broadcast_in_dim3A_78 = vector.broadcast %broadcast_in_dim3A_77 : i32 to vector<16xi32>
      %add3A_79 = arith.constant 0 : i32
      %add3A_80 = vector.broadcast %add3A_79 : i32 to vector<16xi32>
      %add3A_81 = arith.addi %iota3A, %add3A_80 : vector<16xi32>
      %div3A_82 = arith.divsi %add3A_81, %broadcast_in_dim3A_78 : vector<16xi32>
      %mul3A_83 = arith.constant 256 : i32
      %mul3A_84 = vector.broadcast %mul3A_83 : i32 to vector<16xi32>
      %mul3A_85 = arith.muli %div3A_82, %mul3A_84 : vector<16xi32>
      %rem3A_86 = arith.remsi %add3A_81, %broadcast_in_dim3A_78 : vector<16xi32>
      %add3A_87 = arith.addi %mul3A_85, %rem3A_86 : vector<16xi32>
      %add3A_88 = arith.constant 16 : i32
      %add3A_89 = vector.broadcast %add3A_88 : i32 to vector<16xi32>
      %add3A_90 = arith.addi %iota3A, %add3A_89 : vector<16xi32>
      %div3A_91 = arith.divsi %add3A_90, %broadcast_in_dim3A_78 : vector<16xi32>
      %mul3A_92 = arith.constant 256 : i32
      %mul3A_93 = vector.broadcast %mul3A_92 : i32 to vector<16xi32>
      %mul3A_94 = arith.muli %div3A_91, %mul3A_93 : vector<16xi32>
      %rem3A_95 = arith.remsi %add3A_90, %broadcast_in_dim3A_78 : vector<16xi32>
      %add3A_96 = arith.addi %mul3A_94, %rem3A_95 : vector<16xi32>
      %add3A_97 = arith.constant 32 : i32
      %add3A_98 = vector.broadcast %add3A_97 : i32 to vector<16xi32>
      %add3A_99 = arith.addi %iota3A, %add3A_98 : vector<16xi32>
      %div3A_100 = arith.divsi %add3A_99, %broadcast_in_dim3A_78 : vector<16xi32>
      %mul3A_101 = arith.constant 256 : i32
      %mul3A_102 = vector.broadcast %mul3A_101 : i32 to vector<16xi32>
      %mul3A_103 = arith.muli %div3A_100, %mul3A_102 : vector<16xi32>
      %rem3A_104 = arith.remsi %add3A_99, %broadcast_in_dim3A_78 : vector<16xi32>
      %add3A_105 = arith.addi %mul3A_103, %rem3A_104 : vector<16xi32>
      %add3A_106 = arith.constant 48 : i32
      %add3A_107 = vector.broadcast %add3A_106 : i32 to vector<16xi32>
      %add3A_108 = arith.addi %iota3A, %add3A_107 : vector<16xi32>
      %div3A_109 = arith.divsi %add3A_108, %broadcast_in_dim3A_78 : vector<16xi32>
      %mul3A_110 = arith.constant 256 : i32
      %mul3A_111 = vector.broadcast %mul3A_110 : i32 to vector<16xi32>
      %mul3A_112 = arith.muli %div3A_109, %mul3A_111 : vector<16xi32>
      %rem3A_113 = arith.remsi %add3A_108, %broadcast_in_dim3A_78 : vector<16xi32>
      %add3A_114 = arith.addi %mul3A_112, %rem3A_113 : vector<16xi32>
      %add3A_115 = arith.constant 48 : i32
      %add3A_116 = vector.broadcast %add3A_115 : i32 to vector<16xi32>
      %add3A_117 = arith.addi %iota3A, %add3A_116 : vector<16xi32>
      %lt3A_118 = arith.constant 49 : i32
      %lt3A_119 = vector.broadcast %lt3A_118 : i32 to vector<16xi32>
      %lt3A_120 = arith.cmpi slt, %add3A_117, %lt3A_119 : vector<16xi32>
      %eq3A_121 = arith.constant 1 : i32
      %eq3A_122 = arith.cmpi eq, %select_n3A_36, %eq3A_121 : i32
      %jit3A_123 = arith.constant 52 : i32
      %jit3A_124 = arith.constant 0 : i32
      %select_n3A_125 = arith.select %eq3A_122, %jit3A_123, %jit3A_124 : i32
      %eq3A_126 = arith.constant 2 : i32
      %eq3A_127 = arith.cmpi eq, %select_n3A_36, %eq3A_126 : i32
      %jit3A_128 = arith.constant 103 : i32
      %select_n3A_129 = arith.select %eq3A_127, %jit3A_128, %select_n3A_125 : i32
      %eq3A_130 = arith.constant 3 : i32
      %eq3A_131 = arith.cmpi eq, %select_n3A_36, %eq3A_130 : i32
      %jit3A_132 = arith.constant 154 : i32
      %select_n3A_133 = arith.select %eq3A_131, %jit3A_132, %select_n3A_129 : i32
      %eq3A_134 = arith.constant 4 : i32
      %eq3A_135 = arith.cmpi eq, %select_n3A_36, %eq3A_134 : i32
      %jit3A_136 = arith.constant 205 : i32
      %select_n3A_137 = arith.select %eq3A_135, %jit3A_136, %select_n3A_133 : i32
      %eq3A_138 = arith.constant 0 : i32
      %eq3A_139 = arith.cmpi eq, %select_n3A_36, %eq3A_138 : i32
      %jit3A_140 = arith.constant 52 : i32
      %jit3A_141 = arith.constant 256 : i32
      %select_n3A_142 = arith.select %eq3A_139, %jit3A_140, %jit3A_141 : i32
      %eq3A_143 = arith.constant 1 : i32
      %eq3A_144 = arith.cmpi eq, %select_n3A_36, %eq3A_143 : i32
      %jit3A_145 = arith.constant 103 : i32
      %select_n3A_146 = arith.select %eq3A_144, %jit3A_145, %select_n3A_142 : i32
      %eq3A_147 = arith.constant 2 : i32
      %eq3A_148 = arith.cmpi eq, %select_n3A_36, %eq3A_147 : i32
      %jit3A_149 = arith.constant 154 : i32
      %select_n3A_150 = arith.select %eq3A_148, %jit3A_149, %select_n3A_146 : i32
      %eq3A_151 = arith.constant 3 : i32
      %eq3A_152 = arith.cmpi eq, %select_n3A_36, %eq3A_151 : i32
      %jit3A_153 = arith.constant 205 : i32
      %select_n3A_154 = arith.select %eq3A_152, %jit3A_153, %select_n3A_150 : i32
      %mul3A_155 = arith.constant 256 : i32
      %mul3A_156 = arith.muli %select_n3A_137, %mul3A_155 : i32
      %min3A = arith.constant 52224 : i32
      %min3A_157 = arith.minsi %mul3A_156, %min3A : i32
      "tpu.region"() ({
        %run_scoped3A = tpu.sem_alloc : memref<!tpu.dma_semaphore, #tpu.memory_space<semaphore_mem>>
        %dma_start3A_211 = tpu.memref_slice %arg3[%min3A_157] : memref<65536xi32, #tpu.memory_space<hbm>> -> memref<13312xi32, #tpu.memory_space<hbm>>
        %dma_start3A_212 = tpu.memref_slice %arg3[%min3A_157] : memref<65536xi32, #tpu.memory_space<hbm>> -> memref<13312xi32, #tpu.memory_space<hbm>>
        tpu.enqueue_dma source(%dma_start3A_212 : memref<13312xi32, #tpu.memory_space<hbm>>) target(%arg9 : memref<13312xi32, #tpu.memory_space<vmem>>) target_semaphore(%run_scoped3A : memref<!tpu.dma_semaphore, #tpu.memory_space<semaphore_mem>>)
        %dma_wait3A = tpu.memref_slice %arg3[%min3A_157] : memref<65536xi32, #tpu.memory_space<hbm>> -> memref<13312xi32, #tpu.memory_space<hbm>>
        %dma_wait3A_213 = tpu.memref_slice %arg3[%min3A_157] : memref<65536xi32, #tpu.memory_space<hbm>> -> memref<13312xi32, #tpu.memory_space<hbm>>
        tpu.wait_dma2 semaphore(%run_scoped3A : memref<!tpu.dma_semaphore, #tpu.memory_space<semaphore_mem>>) src(%dma_wait3A_213 : memref<13312xi32, #tpu.memory_space<hbm>>) dst(%arg9 : memref<13312xi32, #tpu.memory_space<vmem>>)
        tpu.yield
      }) : () -> ()
      %parallel_loop3A_158 = arith.constant 0 : i32
      %parallel_loop3A_159 = arith.constant 13312 : i32
      %parallel_loop3A_160 = arith.constant 16 : i32
      scf.for %parallel_loop3A_211 = %parallel_loop3A_158 to %parallel_loop3A_159 step %parallel_loop3A_160  : i32 {
        %parallel_loop3A_212 = arith.index_cast %parallel_loop3A_211 : i32 to index
        %parallel_loop3A_213 = tpu.vector_load %arg9[%parallel_loop3A_212] {strides = array<i32>} : memref<13312xi32, #tpu.memory_space<vmem>>, vector<16xi32>,
        %parallel_loop3A_214 = arith.constant 67109 : i32
        %parallel_loop3A_215 = vector.broadcast %parallel_loop3A_214 : i32 to vector<16xi32>
        %parallel_loop3A_216 = arith.muli %parallel_loop3A_213, %parallel_loop3A_215 : vector<16xi32>
        %parallel_loop3A_217 = arith.constant 24 : i32
        %parallel_loop3A_218 = vector.broadcast %parallel_loop3A_217 : i32 to vector<16xi32>
        %parallel_loop3A_219 = arith.shrui %parallel_loop3A_216, %parallel_loop3A_218 : vector<16xi32>
        %parallel_loop3A_220 = arith.constant 6 : i32
        %parallel_loop3A_221 = vector.broadcast %parallel_loop3A_220 : i32 to vector<16xi32>
        %parallel_loop3A_222 = arith.muli %parallel_loop3A_221, %parallel_loop3A_219 : vector<16xi32>
        %parallel_loop3A_223 = arith.addi %parallel_loop3A_213, %parallel_loop3A_222 : vector<16xi32>
        %parallel_loop3A_224 = arith.index_cast %parallel_loop3A_211 : i32 to index
        %parallel_loop3A_225 = tpu.vector_load %arg9[%parallel_loop3A_224] {strides = array<i32>} : memref<13312xi32, #tpu.memory_space<vmem>>, vector<16xi32>,
        tpu.vector_store %arg9[%parallel_loop3A_224], %parallel_loop3A_223 {strides = array<i32>} : memref<13312xi32, #tpu.memory_space<vmem>>, vector<16xi32>,
      } {sc.loop_unroll_factor = 8 : i64, sc.parallel_access}
      %mul3A_161 = arith.constant 49 : i32
      %mul3A_162 = arith.muli %select_n3A_76, %mul3A_161 : i32
      %mul3A_163 = arith.constant 256 : i32
      %mul3A_164 = arith.muli %select_n3A_137, %mul3A_163 : i32
      %dma_start3A = arith.constant 0 : i32
      %dma_start3A_165 = tpu.memref_slice %arg2[%select_n3A_60, %mul3A_162, %dma_start3A, %mul3A_164] : memref<2x147x1x65536xf32, #tpu.memory_space<hbm>> -> memref<1x49x1x256xf32, #tpu.memory_space<hbm>>
      %dma_start3A_166 = tpu.memref_squeeze %dma_start3A_165 : memref<1x49x1x256xf32, #tpu.memory_space<hbm>> -> memref<49x256xf32, #tpu.memory_space<hbm>>
      %dma_start3A_167 = tpu.memref_slice %arg2[%select_n3A_60, %mul3A_162, %dma_start3A, %mul3A_164] : memref<2x147x1x65536xf32, #tpu.memory_space<hbm>> -> memref<1x49x1x256xf32, #tpu.memory_space<hbm>>
      %dma_start3A_168 = tpu.memref_squeeze %dma_start3A_167 : memref<1x49x1x256xf32, #tpu.memory_space<hbm>> -> memref<49x256xf32, #tpu.memory_space<hbm>>
      tpu.enqueue_dma source(%dma_start3A_168 : memref<49x256xf32, #tpu.memory_space<hbm>>) target(%arg6 : memref<49x256xf32, #tpu.memory_space<vmem>>) target_semaphore(%arg10 : memref<!tpu.dma_semaphore, #tpu.memory_space<semaphore_mem>>)
      %add3A_169 = arith.constant 1 : i32
      %add3A_170 = arith.addi %select_n3A_137, %add3A_169 : i32
      %lt3A_171 = arith.cmpi slt, %add3A_170, %select_n3A_154 : i32
      %convert_element_type3A_172 = arith.extui %lt3A_171 : i1 to i32
      %cond3A_173 = arith.constant 0 : i32
      %cond3A_174 = arith.cmpi ne, %convert_element_type3A_172, %cond3A_173 : i32
      scf.if %cond3A_174 {
        %add3A_211 = arith.constant 1 : i32
        %add3A_212 = arith.addi %select_n3A_137, %add3A_211 : i32
        %mul3A_213 = arith.constant 49 : i32
        %mul3A_214 = arith.muli %select_n3A_76, %mul3A_213 : i32
        %mul3A_215 = arith.constant 256 : i32
        %mul3A_216 = arith.muli %add3A_212, %mul3A_215 : i32
        %dma_start3A_217 = arith.constant 0 : i32
        %dma_start3A_218 = tpu.memref_slice %arg2[%select_n3A_60, %mul3A_214, %dma_start3A_217, %mul3A_216] : memref<2x147x1x65536xf32, #tpu.memory_space<hbm>> -> memref<1x49x1x256xf32, #tpu.memory_space<hbm>>
        %dma_start3A_219 = tpu.memref_squeeze %dma_start3A_218 : memref<1x49x1x256xf32, #tpu.memory_space<hbm>> -> memref<49x256xf32, #tpu.memory_space<hbm>>
        %dma_start3A_220 = tpu.memref_slice %arg2[%select_n3A_60, %mul3A_214, %dma_start3A_217, %mul3A_216] : memref<2x147x1x65536xf32, #tpu.memory_space<hbm>> -> memref<1x49x1x256xf32, #tpu.memory_space<hbm>>
        %dma_start3A_221 = tpu.memref_squeeze %dma_start3A_220 : memref<1x49x1x256xf32, #tpu.memory_space<hbm>> -> memref<49x256xf32, #tpu.memory_space<hbm>>
        tpu.enqueue_dma source(%dma_start3A_221 : memref<49x256xf32, #tpu.memory_space<hbm>>) target(%arg7 : memref<49x256xf32, #tpu.memory_space<vmem>>) target_semaphore(%arg11 : memref<!tpu.dma_semaphore, #tpu.memory_space<semaphore_mem>>)
      } else {
      }
      %sub3A_175 = arith.subi %select_n3A_154, %select_n3A_137 : i32
      %add3A_176 = arith.constant 2 : i32
      %add3A_177 = arith.addi %sub3A_175, %add3A_176 : i32
      %jit3A_178 = arith.constant 3 : i32
      %div3A_179 = arith.divsi %add3A_177, %jit3A_178 : i32
      %sign3A_180 = arith.constant 0 : i32
      %sign3A_181 = arith.cmpi sgt, %add3A_177, %sign3A_180 : i32
      %sign3A_182 = arith.extui %sign3A_181 : i1 to i32
      %sign3A_183 = arith.constant 0 : i32
      %sign3A_184 = arith.cmpi slt, %add3A_177, %sign3A_183 : i32
      %sign3A_185 = arith.extui %sign3A_184 : i1 to i32
      %sign3A_186 = arith.subi %sign3A_182, %sign3A_185 : i32
      %sign3A_187 = arith.constant 0 : i32
      %sign3A_188 = arith.cmpi sgt, %jit3A_178, %sign3A_187 : i32
      %sign3A_189 = arith.extui %sign3A_188 : i1 to i32
      %sign3A_190 = arith.constant 0 : i32
      %sign3A_191 = arith.cmpi slt, %jit3A_178, %sign3A_190 : i32
      %sign3A_192 = arith.extui %sign3A_191 : i1 to i32
      %sign3A_193 = arith.subi %sign3A_189, %sign3A_192 : i32
      %ne3A_194 = arith.cmpi ne, %sign3A_186, %sign3A_193 : i32
      %rem3A_195 = arith.remsi %add3A_177, %jit3A_178 : i32
      %ne3A_196 = arith.constant 0 : i32
      %ne3A_197 = arith.cmpi ne, %rem3A_195, %ne3A_196 : i32
      %and3A_198 = arith.andi %ne3A_194, %ne3A_197 : i1
      %sub3A_199 = arith.constant 1 : i32
      %sub3A_200 = arith.subi %div3A_179, %sub3A_199 : i32
      %select_n3A_201 = arith.select %and3A_198, %sub3A_200, %div3A_179 : i32
      %while3A = arith.constant 0 : i32
      %while3A_202 = arith.constant 0 : i32
      %while3A_203 = arith.subi %select_n3A_201, %while3A_202 : i32
      %while3A_204 = arith.addi %while3A_202, %while3A_203 : i32
      %while3A_205 = arith.constant 1 : i32
      %while3A_206 = arith.divsi %while3A_203, %while3A_205 : i32
      %while3A_207 = arith.muli %while3A_206, %while3A_205 : i32
      %while3A_208 = arith.addi %while3A_202, %while3A_207 : i32
      %while3A_209 = arith.constant 1 : i32
      scf.for %while3A_211 = %while3A_202 to %while3A_208 step %while3A_209  : i32 {
        %mul3A_212 = arith.constant 3 : i32
        %mul3A_213 = arith.muli %mul3A_212, %while3A_211 : i32
        %add3A_214 = arith.addi %select_n3A_137, %mul3A_213 : i32
        %add3A_215 = arith.constant 0 : i32
        %add3A_216 = arith.addi %add3A_214, %add3A_215 : i32
        %mul3A_217 = arith.constant 49 : i32
        %mul3A_218 = arith.muli %select_n3A_76, %mul3A_217 : i32
        %mul3A_219 = arith.constant 256 : i32
        %mul3A_220 = arith.muli %add3A_216, %mul3A_219 : i32
        %dma_wait3A = arith.constant 0 : i32
        %dma_wait3A_221 = tpu.memref_slice %arg2[%select_n3A_60, %mul3A_218, %dma_wait3A, %mul3A_220] : memref<2x147x1x65536xf32, #tpu.memory_space<hbm>> -> memref<1x49x1x256xf32, #tpu.memory_space<hbm>>
        %dma_wait3A_222 = tpu.memref_squeeze %dma_wait3A_221 : memref<1x49x1x256xf32, #tpu.memory_space<hbm>> -> memref<49x256xf32, #tpu.memory_space<hbm>>
        %dma_wait3A_223 = tpu.memref_slice %arg2[%select_n3A_60, %mul3A_218, %dma_wait3A, %mul3A_220] : memref<2x147x1x65536xf32, #tpu.memory_space<hbm>> -> memref<1x49x1x256xf32, #tpu.memory_space<hbm>>
        %dma_wait3A_224 = tpu.memref_squeeze %dma_wait3A_223 : memref<1x49x1x256xf32, #tpu.memory_space<hbm>> -> memref<49x256xf32, #tpu.memory_space<hbm>>
        tpu.wait_dma2 semaphore(%arg10 : memref<!tpu.dma_semaphore, #tpu.memory_space<semaphore_mem>>) src(%dma_wait3A_224 : memref<49x256xf32, #tpu.memory_space<hbm>>) dst(%arg6 : memref<49x256xf32, #tpu.memory_space<vmem>>)
        %add3A_225 = arith.constant 2 : i32
        %add3A_226 = arith.addi %add3A_216, %add3A_225 : i32
        %lt3A_227 = arith.cmpi slt, %add3A_226, %select_n3A_154 : i32
        %convert_element_type3A_228 = arith.extui %lt3A_227 : i1 to i32
        %cond3A_229 = arith.constant 0 : i32
        %cond3A_230 = arith.cmpi ne, %convert_element_type3A_228, %cond3A_229 : i32
        scf.if %cond3A_230 {
          %add3A_249 = arith.constant 2 : i32
          %add3A_250 = arith.addi %add3A_216, %add3A_249 : i32
          %mul3A_251 = arith.constant 49 : i32
          %mul3A_252 = arith.muli %select_n3A_76, %mul3A_251 : i32
          %mul3A_253 = arith.constant 256 : i32
          %mul3A_254 = arith.muli %add3A_250, %mul3A_253 : i32
          %dma_start3A_255 = arith.constant 0 : i32
          %dma_start3A_256 = tpu.memref_slice %arg2[%select_n3A_60, %mul3A_252, %dma_start3A_255, %mul3A_254] : memref<2x147x1x65536xf32, #tpu.memory_space<hbm>> -> memref<1x49x1x256xf32, #tpu.memory_space<hbm>>
          %dma_start3A_257 = tpu.memref_squeeze %dma_start3A_256 : memref<1x49x1x256xf32, #tpu.memory_space<hbm>> -> memref<49x256xf32, #tpu.memory_space<hbm>>
          %dma_start3A_258 = tpu.memref_slice %arg2[%select_n3A_60, %mul3A_252, %dma_start3A_255, %mul3A_254] : memref<2x147x1x65536xf32, #tpu.memory_space<hbm>> -> memref<1x49x1x256xf32, #tpu.memory_space<hbm>>
          %dma_start3A_259 = tpu.memref_squeeze %dma_start3A_258 : memref<1x49x1x256xf32, #tpu.memory_space<hbm>> -> memref<49x256xf32, #tpu.memory_space<hbm>>
          tpu.enqueue_dma source(%dma_start3A_259 : memref<49x256xf32, #tpu.memory_space<hbm>>) target(%arg8 : memref<49x256xf32, #tpu.memory_space<vmem>>) target_semaphore(%arg12 : memref<!tpu.dma_semaphore, #tpu.memory_space<semaphore_mem>>)
        } else {
        }
        %mul3A_231 = arith.constant 256 : i32
        %mul3A_232 = arith.muli %add3A_216, %mul3A_231 : i32
        %sub3A_233 = arith.subi %mul3A_232, %min3A_157 : i32
        %parallel_loop3A_234 = arith.constant 0 : i32
        %parallel_loop3A_235 = arith.constant 256 : i32
        %parallel_loop3A_236 = arith.constant 1 : i32
        scf.for %parallel_loop3A_249 = %parallel_loop3A_234 to %parallel_loop3A_235 step %parallel_loop3A_236  : i32 {
          %parallel_loop3A_250 = vector.broadcast %parallel_loop3A_249 : i32 to vector<16xi32>
          %parallel_loop3A_251 = vector.broadcast %sub3A_233 : i32 to vector<16xi32>
          %parallel_loop3A_252 = arith.addi %parallel_loop3A_250, %parallel_loop3A_251 : vector<16xi32>
          %parallel_loop3A_253 = tpu.vector_load_idx %arg9[%parallel_loop3A_252] : memref<13312xi32, #tpu.memory_space<vmem>>[vector<16xi32>], vector<16xi32>,
          %parallel_loop3A_254 = arith.constant 0 : i32
          %parallel_loop3A_255 = vector.broadcast %parallel_loop3A_254 : i32 to vector<16xi32>
          %parallel_loop3A_256 = arith.addi %iota3A, %parallel_loop3A_255 : vector<16xi32>
          %parallel_loop3A_257 = tpu.vector_load_idx %arg6[%parallel_loop3A_256, %parallel_loop3A_250] : memref<49x256xf32, #tpu.memory_space<vmem>>[vector<16xi32>, vector<16xi32>], vector<16xf32>,
          %parallel_loop3A_258 = arith.addi %parallel_loop3A_253, %add3A_87 : vector<16xi32>
          tpu.vector_store_idx %arg5[%parallel_loop3A_258], %parallel_loop3A_257 {add = true} : memref<65536xf32, #tpu.memory_space<vmem>>[vector<16xi32>], vector<16xf32>,
          %parallel_loop3A_259 = arith.constant 16 : i32
          %parallel_loop3A_260 = vector.broadcast %parallel_loop3A_259 : i32 to vector<16xi32>
          %parallel_loop3A_261 = arith.addi %iota3A, %parallel_loop3A_260 : vector<16xi32>
          %parallel_loop3A_262 = tpu.vector_load_idx %arg6[%parallel_loop3A_261, %parallel_loop3A_250] : memref<49x256xf32, #tpu.memory_space<vmem>>[vector<16xi32>, vector<16xi32>], vector<16xf32>,
          %parallel_loop3A_263 = arith.addi %parallel_loop3A_253, %add3A_96 : vector<16xi32>
          tpu.vector_store_idx %arg5[%parallel_loop3A_263], %parallel_loop3A_262 {add = true} : memref<65536xf32, #tpu.memory_space<vmem>>[vector<16xi32>], vector<16xf32>,
          %parallel_loop3A_264 = arith.constant 32 : i32
          %parallel_loop3A_265 = vector.broadcast %parallel_loop3A_264 : i32 to vector<16xi32>
          %parallel_loop3A_266 = arith.addi %iota3A, %parallel_loop3A_265 : vector<16xi32>
          %parallel_loop3A_267 = tpu.vector_load_idx %arg6[%parallel_loop3A_266, %parallel_loop3A_250] : memref<49x256xf32, #tpu.memory_space<vmem>>[vector<16xi32>, vector<16xi32>], vector<16xf32>,
          %parallel_loop3A_268 = arith.addi %parallel_loop3A_253, %add3A_105 : vector<16xi32>
          tpu.vector_store_idx %arg5[%parallel_loop3A_268], %parallel_loop3A_267 {add = true} : memref<65536xf32, #tpu.memory_space<vmem>>[vector<16xi32>], vector<16xf32>,
          %parallel_loop3A_269 = arith.constant 48 : i32
          %parallel_loop3A_270 = vector.broadcast %parallel_loop3A_269 : i32 to vector<16xi32>
          %parallel_loop3A_271 = arith.addi %iota3A, %parallel_loop3A_270 : vector<16xi32>
          %parallel_loop3A_272 = tpu.vector_load_idx %arg6[%parallel_loop3A_271, %parallel_loop3A_250] masked %lt3A_120 : memref<49x256xf32, #tpu.memory_space<vmem>>[vector<16xi32>, vector<16xi32>], vector<16xf32>, vector<16xi1>
          %parallel_loop3A_273 = arith.addi %parallel_loop3A_253, %add3A_114 : vector<16xi32>
          tpu.vector_store_idx %arg5[%parallel_loop3A_273], %parallel_loop3A_272 masked %lt3A_120 {add = true} : memref<65536xf32, #tpu.memory_space<vmem>>[vector<16xi32>], vector<16xf32>, vector<16xi1>
        } {sc.loop_unroll_factor = 8 : i64, sc.parallel_access}
        %add3A_237 = arith.constant 1 : i32
        %add3A_238 = arith.addi %add3A_214, %add3A_237 : i32
        %lt3A_239 = arith.cmpi slt, %add3A_238, %select_n3A_154 : i32
        %convert_element_type3A_240 = arith.extui %lt3A_239 : i1 to i32
        %cond3A_241 = arith.constant 0 : i32
        %cond3A_242 = arith.cmpi ne, %convert_element_type3A_240, %cond3A_241 : i32
        scf.if %cond3A_242 {
          %mul3A_249 = arith.constant 49 : i32
          %mul3A_250 = arith.muli %select_n3A_76, %mul3A_249 : i32
          %mul3A_251 = arith.constant 256 : i32
          %mul3A_252 = arith.muli %add3A_238, %mul3A_251 : i32
          %dma_wait3A_253 = arith.constant 0 : i32
          %dma_wait3A_254 = tpu.memref_slice %arg2[%select_n3A_60, %mul3A_250, %dma_wait3A_253, %mul3A_252] : memref<2x147x1x65536xf32, #tpu.memory_space<hbm>> -> memref<1x49x1x256xf32, #tpu.memory_space<hbm>>
          %dma_wait3A_255 = tpu.memref_squeeze %dma_wait3A_254 : memref<1x49x1x256xf32, #tpu.memory_space<hbm>> -> memref<49x256xf32, #tpu.memory_space<hbm>>
          %dma_wait3A_256 = tpu.memref_slice %arg2[%select_n3A_60, %mul3A_250, %dma_wait3A_253, %mul3A_252] : memref<2x147x1x65536xf32, #tpu.memory_space<hbm>> -> memref<1x49x1x256xf32, #tpu.memory_space<hbm>>
          %dma_wait3A_257 = tpu.memref_squeeze %dma_wait3A_256 : memref<1x49x1x256xf32, #tpu.memory_space<hbm>> -> memref<49x256xf32, #tpu.memory_space<hbm>>
          tpu.wait_dma2 semaphore(%arg11 : memref<!tpu.dma_semaphore, #tpu.memory_space<semaphore_mem>>) src(%dma_wait3A_257 : memref<49x256xf32, #tpu.memory_space<hbm>>) dst(%arg7 : memref<49x256xf32, #tpu.memory_space<vmem>>)
          %add3A_258 = arith.constant 2 : i32
          %add3A_259 = arith.addi %add3A_238, %add3A_258 : i32
          %lt3A_260 = arith.cmpi slt, %add3A_259, %select_n3A_154 : i32
          %convert_element_type3A_261 = arith.extui %lt3A_260 : i1 to i32
          %cond3A_262 = arith.constant 0 : i32
          %cond3A_263 = arith.cmpi ne, %convert_element_type3A_261, %cond3A_262 : i32
          scf.if %cond3A_263 {
            %add3A_270 = arith.constant 2 : i32
            %add3A_271 = arith.addi %add3A_238, %add3A_270 : i32
            %mul3A_272 = arith.constant 49 : i32
            %mul3A_273 = arith.muli %select_n3A_76, %mul3A_272 : i32
            %mul3A_274 = arith.constant 256 : i32
            %mul3A_275 = arith.muli %add3A_271, %mul3A_274 : i32
            %dma_start3A_276 = arith.constant 0 : i32
            %dma_start3A_277 = tpu.memref_slice %arg2[%select_n3A_60, %mul3A_273, %dma_start3A_276, %mul3A_275] : memref<2x147x1x65536xf32, #tpu.memory_space<hbm>> -> memref<1x49x1x256xf32, #tpu.memory_space<hbm>>
            %dma_start3A_278 = tpu.memref_squeeze %dma_start3A_277 : memref<1x49x1x256xf32, #tpu.memory_space<hbm>> -> memref<49x256xf32, #tpu.memory_space<hbm>>
            %dma_start3A_279 = tpu.memref_slice %arg2[%select_n3A_60, %mul3A_273, %dma_start3A_276, %mul3A_275] : memref<2x147x1x65536xf32, #tpu.memory_space<hbm>> -> memref<1x49x1x256xf32, #tpu.memory_space<hbm>>
            %dma_start3A_280 = tpu.memref_squeeze %dma_start3A_279 : memref<1x49x1x256xf32, #tpu.memory_space<hbm>> -> memref<49x256xf32, #tpu.memory_space<hbm>>
            tpu.enqueue_dma source(%dma_start3A_280 : memref<49x256xf32, #tpu.memory_space<hbm>>) target(%arg6 : memref<49x256xf32, #tpu.memory_space<vmem>>) target_semaphore(%arg10 : memref<!tpu.dma_semaphore, #tpu.memory_space<semaphore_mem>>)
          } else {
          }
          %mul3A_264 = arith.constant 256 : i32
          %mul3A_265 = arith.muli %add3A_238, %mul3A_264 : i32
          %sub3A_266 = arith.subi %mul3A_265, %min3A_157 : i32
          %parallel_loop3A_267 = arith.constant 0 : i32
          %parallel_loop3A_268 = arith.constant 256 : i32
          %parallel_loop3A_269 = arith.constant 1 : i32
          scf.for %parallel_loop3A_270 = %parallel_loop3A_267 to %parallel_loop3A_268 step %parallel_loop3A_269  : i32 {
            %parallel_loop3A_271 = vector.broadcast %parallel_loop3A_270 : i32 to vector<16xi32>
            %parallel_loop3A_272 = vector.broadcast %sub3A_266 : i32 to vector<16xi32>
            %parallel_loop3A_273 = arith.addi %parallel_loop3A_271, %parallel_loop3A_272 : vector<16xi32>
            %parallel_loop3A_274 = tpu.vector_load_idx %arg9[%parallel_loop3A_273] : memref<13312xi32, #tpu.memory_space<vmem>>[vector<16xi32>], vector<16xi32>,
            %parallel_loop3A_275 = arith.constant 0 : i32
            %parallel_loop3A_276 = vector.broadcast %parallel_loop3A_275 : i32 to vector<16xi32>
            %parallel_loop3A_277 = arith.addi %iota3A, %parallel_loop3A_276 : vector<16xi32>
            %parallel_loop3A_278 = tpu.vector_load_idx %arg7[%parallel_loop3A_277, %parallel_loop3A_271] : memref<49x256xf32, #tpu.memory_space<vmem>>[vector<16xi32>, vector<16xi32>], vector<16xf32>,
            %parallel_loop3A_279 = arith.addi %parallel_loop3A_274, %add3A_87 : vector<16xi32>
            tpu.vector_store_idx %arg5[%parallel_loop3A_279], %parallel_loop3A_278 {add = true} : memref<65536xf32, #tpu.memory_space<vmem>>[vector<16xi32>], vector<16xf32>,
            %parallel_loop3A_280 = arith.constant 16 : i32
            %parallel_loop3A_281 = vector.broadcast %parallel_loop3A_280 : i32 to vector<16xi32>
            %parallel_loop3A_282 = arith.addi %iota3A, %parallel_loop3A_281 : vector<16xi32>
            %parallel_loop3A_283 = tpu.vector_load_idx %arg7[%parallel_loop3A_282, %parallel_loop3A_271] : memref<49x256xf32, #tpu.memory_space<vmem>>[vector<16xi32>, vector<16xi32>], vector<16xf32>,
            %parallel_loop3A_284 = arith.addi %parallel_loop3A_274, %add3A_96 : vector<16xi32>
            tpu.vector_store_idx %arg5[%parallel_loop3A_284], %parallel_loop3A_283 {add = true} : memref<65536xf32, #tpu.memory_space<vmem>>[vector<16xi32>], vector<16xf32>,
            %parallel_loop3A_285 = arith.constant 32 : i32
            %parallel_loop3A_286 = vector.broadcast %parallel_loop3A_285 : i32 to vector<16xi32>
            %parallel_loop3A_287 = arith.addi %iota3A, %parallel_loop3A_286 : vector<16xi32>
            %parallel_loop3A_288 = tpu.vector_load_idx %arg7[%parallel_loop3A_287, %parallel_loop3A_271] : memref<49x256xf32, #tpu.memory_space<vmem>>[vector<16xi32>, vector<16xi32>], vector<16xf32>,
            %parallel_loop3A_289 = arith.addi %parallel_loop3A_274, %add3A_105 : vector<16xi32>
            tpu.vector_store_idx %arg5[%parallel_loop3A_289], %parallel_loop3A_288 {add = true} : memref<65536xf32, #tpu.memory_space<vmem>>[vector<16xi32>], vector<16xf32>,
            %parallel_loop3A_290 = arith.constant 48 : i32
            %parallel_loop3A_291 = vector.broadcast %parallel_loop3A_290 : i32 to vector<16xi32>
            %parallel_loop3A_292 = arith.addi %iota3A, %parallel_loop3A_291 : vector<16xi32>
            %parallel_loop3A_293 = tpu.vector_load_idx %arg7[%parallel_loop3A_292, %parallel_loop3A_271] masked %lt3A_120 : memref<49x256xf32, #tpu.memory_space<vmem>>[vector<16xi32>, vector<16xi32>], vector<16xf32>, vector<16xi1>
            %parallel_loop3A_294 = arith.addi %parallel_loop3A_274, %add3A_114 : vector<16xi32>
            tpu.vector_store_idx %arg5[%parallel_loop3A_294], %parallel_loop3A_293 masked %lt3A_120 {add = true} : memref<65536xf32, #tpu.memory_space<vmem>>[vector<16xi32>], vector<16xf32>, vector<16xi1>
          } {sc.loop_unroll_factor = 8 : i64, sc.parallel_access}
        } else {
        }
        %add3A_243 = arith.constant 2 : i32
        %add3A_244 = arith.addi %add3A_214, %add3A_243 : i32
        %lt3A_245 = arith.cmpi slt, %add3A_244, %select_n3A_154 : i32
        %convert_element_type3A_246 = arith.extui %lt3A_245 : i1 to i32
        %cond3A_247 = arith.constant 0 : i32
        %cond3A_248 = arith.cmpi ne, %convert_element_type3A_246, %cond3A_247 : i32
        scf.if %cond3A_248 {
          %mul3A_249 = arith.constant 49 : i32
          %mul3A_250 = arith.muli %select_n3A_76, %mul3A_249 : i32
          %mul3A_251 = arith.constant 256 : i32
          %mul3A_252 = arith.muli %add3A_244, %mul3A_251 : i32
          %dma_wait3A_253 = arith.constant 0 : i32
          %dma_wait3A_254 = tpu.memref_slice %arg2[%select_n3A_60, %mul3A_250, %dma_wait3A_253, %mul3A_252] : memref<2x147x1x65536xf32, #tpu.memory_space<hbm>> -> memref<1x49x1x256xf32, #tpu.memory_space<hbm>>
          %dma_wait3A_255 = tpu.memref_squeeze %dma_wait3A_254 : memref<1x49x1x256xf32, #tpu.memory_space<hbm>> -> memref<49x256xf32, #tpu.memory_space<hbm>>
          %dma_wait3A_256 = tpu.memref_slice %arg2[%select_n3A_60, %mul3A_250, %dma_wait3A_253, %mul3A_252] : memref<2x147x1x65536xf32, #tpu.memory_space<hbm>> -> memref<1x49x1x256xf32, #tpu.memory_space<hbm>>
          %dma_wait3A_257 = tpu.memref_squeeze %dma_wait3A_256 : memref<1x49x1x256xf32, #tpu.memory_space<hbm>> -> memref<49x256xf32, #tpu.memory_space<hbm>>
          tpu.wait_dma2 semaphore(%arg12 : memref<!tpu.dma_semaphore, #tpu.memory_space<semaphore_mem>>) src(%dma_wait3A_257 : memref<49x256xf32, #tpu.memory_space<hbm>>) dst(%arg8 : memref<49x256xf32, #tpu.memory_space<vmem>>)
          %add3A_258 = arith.constant 2 : i32
          %add3A_259 = arith.addi %add3A_244, %add3A_258 : i32
          %lt3A_260 = arith.cmpi slt, %add3A_259, %select_n3A_154 : i32
          %convert_element_type3A_261 = arith.extui %lt3A_260 : i1 to i32
          %cond3A_262 = arith.constant 0 : i32
          %cond3A_263 = arith.cmpi ne, %convert_element_type3A_261, %cond3A_262 : i32
          scf.if %cond3A_263 {
            %add3A_270 = arith.constant 2 : i32
            %add3A_271 = arith.addi %add3A_244, %add3A_270 : i32
            %mul3A_272 = arith.constant 49 : i32
            %mul3A_273 = arith.muli %select_n3A_76, %mul3A_272 : i32
            %mul3A_274 = arith.constant 256 : i32
            %mul3A_275 = arith.muli %add3A_271, %mul3A_274 : i32
            %dma_start3A_276 = arith.constant 0 : i32
            %dma_start3A_277 = tpu.memref_slice %arg2[%select_n3A_60, %mul3A_273, %dma_start3A_276, %mul3A_275] : memref<2x147x1x65536xf32, #tpu.memory_space<hbm>> -> memref<1x49x1x256xf32, #tpu.memory_space<hbm>>
            %dma_start3A_278 = tpu.memref_squeeze %dma_start3A_277 : memref<1x49x1x256xf32, #tpu.memory_space<hbm>> -> memref<49x256xf32, #tpu.memory_space<hbm>>
            %dma_start3A_279 = tpu.memref_slice %arg2[%select_n3A_60, %mul3A_273, %dma_start3A_276, %mul3A_275] : memref<2x147x1x65536xf32, #tpu.memory_space<hbm>> -> memref<1x49x1x256xf32, #tpu.memory_space<hbm>>
            %dma_start3A_280 = tpu.memref_squeeze %dma_start3A_279 : memref<1x49x1x256xf32, #tpu.memory_space<hbm>> -> memref<49x256xf32, #tpu.memory_space<hbm>>
            tpu.enqueue_dma source(%dma_start3A_280 : memref<49x256xf32, #tpu.memory_space<hbm>>) target(%arg7 : memref<49x256xf32, #tpu.memory_space<vmem>>) target_semaphore(%arg11 : memref<!tpu.dma_semaphore, #tpu.memory_space<semaphore_mem>>)
          } else {
          }
          %mul3A_264 = arith.constant 256 : i32
          %mul3A_265 = arith.muli %add3A_244, %mul3A_264 : i32
          %sub3A_266 = arith.subi %mul3A_265, %min3A_157 : i32
          %parallel_loop3A_267 = arith.constant 0 : i32
          %parallel_loop3A_268 = arith.constant 256 : i32
          %parallel_loop3A_269 = arith.constant 1 : i32
          scf.for %parallel_loop3A_270 = %parallel_loop3A_267 to %parallel_loop3A_268 step %parallel_loop3A_269  : i32 {
            %parallel_loop3A_271 = vector.broadcast %parallel_loop3A_270 : i32 to vector<16xi32>
            %parallel_loop3A_272 = vector.broadcast %sub3A_266 : i32 to vector<16xi32>
            %parallel_loop3A_273 = arith.addi %parallel_loop3A_271, %parallel_loop3A_272 : vector<16xi32>
            %parallel_loop3A_274 = tpu.vector_load_idx %arg9[%parallel_loop3A_273] : memref<13312xi32, #tpu.memory_space<vmem>>[vector<16xi32>], vector<16xi32>,
            %parallel_loop3A_275 = arith.constant 0 : i32
            %parallel_loop3A_276 = vector.broadcast %parallel_loop3A_275 : i32 to vector<16xi32>
            %parallel_loop3A_277 = arith.addi %iota3A, %parallel_loop3A_276 : vector<16xi32>
            %parallel_loop3A_278 = tpu.vector_load_idx %arg8[%parallel_loop3A_277, %parallel_loop3A_271] : memref<49x256xf32, #tpu.memory_space<vmem>>[vector<16xi32>, vector<16xi32>], vector<16xf32>,
            %parallel_loop3A_279 = arith.addi %parallel_loop3A_274, %add3A_87 : vector<16xi32>
            tpu.vector_store_idx %arg5[%parallel_loop3A_279], %parallel_loop3A_278 {add = true} : memref<65536xf32, #tpu.memory_space<vmem>>[vector<16xi32>], vector<16xf32>,
            %parallel_loop3A_280 = arith.constant 16 : i32
            %parallel_loop3A_281 = vector.broadcast %parallel_loop3A_280 : i32 to vector<16xi32>
            %parallel_loop3A_282 = arith.addi %iota3A, %parallel_loop3A_281 : vector<16xi32>
            %parallel_loop3A_283 = tpu.vector_load_idx %arg8[%parallel_loop3A_282, %parallel_loop3A_271] : memref<49x256xf32, #tpu.memory_space<vmem>>[vector<16xi32>, vector<16xi32>], vector<16xf32>,
            %parallel_loop3A_284 = arith.addi %parallel_loop3A_274, %add3A_96 : vector<16xi32>
            tpu.vector_store_idx %arg5[%parallel_loop3A_284], %parallel_loop3A_283 {add = true} : memref<65536xf32, #tpu.memory_space<vmem>>[vector<16xi32>], vector<16xf32>,
            %parallel_loop3A_285 = arith.constant 32 : i32
            %parallel_loop3A_286 = vector.broadcast %parallel_loop3A_285 : i32 to vector<16xi32>
            %parallel_loop3A_287 = arith.addi %iota3A, %parallel_loop3A_286 : vector<16xi32>
            %parallel_loop3A_288 = tpu.vector_load_idx %arg8[%parallel_loop3A_287, %parallel_loop3A_271] : memref<49x256xf32, #tpu.memory_space<vmem>>[vector<16xi32>, vector<16xi32>], vector<16xf32>,
            %parallel_loop3A_289 = arith.addi %parallel_loop3A_274, %add3A_105 : vector<16xi32>
            tpu.vector_store_idx %arg5[%parallel_loop3A_289], %parallel_loop3A_288 {add = true} : memref<65536xf32, #tpu.memory_space<vmem>>[vector<16xi32>], vector<16xf32>,
            %parallel_loop3A_290 = arith.constant 48 : i32
            %parallel_loop3A_291 = vector.broadcast %parallel_loop3A_290 : i32 to vector<16xi32>
            %parallel_loop3A_292 = arith.addi %iota3A, %parallel_loop3A_291 : vector<16xi32>
            %parallel_loop3A_293 = tpu.vector_load_idx %arg8[%parallel_loop3A_292, %parallel_loop3A_271] masked %lt3A_120 : memref<49x256xf32, #tpu.memory_space<vmem>>[vector<16xi32>, vector<16xi32>], vector<16xf32>, vector<16xi1>
            %parallel_loop3A_294 = arith.addi %parallel_loop3A_274, %add3A_114 : vector<16xi32>
            tpu.vector_store_idx %arg5[%parallel_loop3A_294], %parallel_loop3A_293 masked %lt3A_120 {add = true} : memref<65536xf32, #tpu.memory_space<vmem>>[vector<16xi32>], vector<16xf32>, vector<16xi1>
          } {sc.loop_unroll_factor = 8 : i64, sc.parallel_access}
        } else {
        }
      }
      %while3A_210 = arith.constant 1 : i32
      scf.for %while3A_211 = %while3A_208 to %while3A_204 step %while3A_210  : i32 {
        %mul3A_212 = arith.constant 3 : i32
        %mul3A_213 = arith.muli %mul3A_212, %while3A_211 : i32
        %add3A_214 = arith.addi %select_n3A_137, %mul3A_213 : i32
        %add3A_215 = arith.constant 0 : i32
        %add3A_216 = arith.addi %add3A_214, %add3A_215 : i32
        %mul3A_217 = arith.constant 49 : i32
        %mul3A_218 = arith.muli %select_n3A_76, %mul3A_217 : i32
        %mul3A_219 = arith.constant 256 : i32
        %mul3A_220 = arith.muli %add3A_216, %mul3A_219 : i32
        %dma_wait3A = arith.constant 0 : i32
        %dma_wait3A_221 = tpu.memref_slice %arg2[%select_n3A_60, %mul3A_218, %dma_wait3A, %mul3A_220] : memref<2x147x1x65536xf32, #tpu.memory_space<hbm>> -> memref<1x49x1x256xf32, #tpu.memory_space<hbm>>
        %dma_wait3A_222 = tpu.memref_squeeze %dma_wait3A_221 : memref<1x49x1x256xf32, #tpu.memory_space<hbm>> -> memref<49x256xf32, #tpu.memory_space<hbm>>
        %dma_wait3A_223 = tpu.memref_slice %arg2[%select_n3A_60, %mul3A_218, %dma_wait3A, %mul3A_220] : memref<2x147x1x65536xf32, #tpu.memory_space<hbm>> -> memref<1x49x1x256xf32, #tpu.memory_space<hbm>>
        %dma_wait3A_224 = tpu.memref_squeeze %dma_wait3A_223 : memref<1x49x1x256xf32, #tpu.memory_space<hbm>> -> memref<49x256xf32, #tpu.memory_space<hbm>>
        tpu.wait_dma2 semaphore(%arg10 : memref<!tpu.dma_semaphore, #tpu.memory_space<semaphore_mem>>) src(%dma_wait3A_224 : memref<49x256xf32, #tpu.memory_space<hbm>>) dst(%arg6 : memref<49x256xf32, #tpu.memory_space<vmem>>)
        %add3A_225 = arith.constant 2 : i32
        %add3A_226 = arith.addi %add3A_216, %add3A_225 : i32
        %lt3A_227 = arith.cmpi slt, %add3A_226, %select_n3A_154 : i32
        %convert_element_type3A_228 = arith.extui %lt3A_227 : i1 to i32
        %cond3A_229 = arith.constant 0 : i32
        %cond3A_230 = arith.cmpi ne, %convert_element_type3A_228, %cond3A_229 : i32
        scf.if %cond3A_230 {
          %add3A_249 = arith.constant 2 : i32
          %add3A_250 = arith.addi %add3A_216, %add3A_249 : i32
          %mul3A_251 = arith.constant 49 : i32
          %mul3A_252 = arith.muli %select_n3A_76, %mul3A_251 : i32
          %mul3A_253 = arith.constant 256 : i32
          %mul3A_254 = arith.muli %add3A_250, %mul3A_253 : i32
          %dma_start3A_255 = arith.constant 0 : i32
          %dma_start3A_256 = tpu.memref_slice %arg2[%select_n3A_60, %mul3A_252, %dma_start3A_255, %mul3A_254] : memref<2x147x1x65536xf32, #tpu.memory_space<hbm>> -> memref<1x49x1x256xf32, #tpu.memory_space<hbm>>
          %dma_start3A_257 = tpu.memref_squeeze %dma_start3A_256 : memref<1x49x1x256xf32, #tpu.memory_space<hbm>> -> memref<49x256xf32, #tpu.memory_space<hbm>>
          %dma_start3A_258 = tpu.memref_slice %arg2[%select_n3A_60, %mul3A_252, %dma_start3A_255, %mul3A_254] : memref<2x147x1x65536xf32, #tpu.memory_space<hbm>> -> memref<1x49x1x256xf32, #tpu.memory_space<hbm>>
          %dma_start3A_259 = tpu.memref_squeeze %dma_start3A_258 : memref<1x49x1x256xf32, #tpu.memory_space<hbm>> -> memref<49x256xf32, #tpu.memory_space<hbm>>
          tpu.enqueue_dma source(%dma_start3A_259 : memref<49x256xf32, #tpu.memory_space<hbm>>) target(%arg8 : memref<49x256xf32, #tpu.memory_space<vmem>>) target_semaphore(%arg12 : memref<!tpu.dma_semaphore, #tpu.memory_space<semaphore_mem>>)
        } else {
        }
        %mul3A_231 = arith.constant 256 : i32
        %mul3A_232 = arith.muli %add3A_216, %mul3A_231 : i32
        %sub3A_233 = arith.subi %mul3A_232, %min3A_157 : i32
        %parallel_loop3A_234 = arith.constant 0 : i32
        %parallel_loop3A_235 = arith.constant 256 : i32
        %parallel_loop3A_236 = arith.constant 1 : i32
        scf.for %parallel_loop3A_249 = %parallel_loop3A_234 to %parallel_loop3A_235 step %parallel_loop3A_236  : i32 {
          %parallel_loop3A_250 = vector.broadcast %parallel_loop3A_249 : i32 to vector<16xi32>
          %parallel_loop3A_251 = vector.broadcast %sub3A_233 : i32 to vector<16xi32>
          %parallel_loop3A_252 = arith.addi %parallel_loop3A_250, %parallel_loop3A_251 : vector<16xi32>
          %parallel_loop3A_253 = tpu.vector_load_idx %arg9[%parallel_loop3A_252] : memref<13312xi32, #tpu.memory_space<vmem>>[vector<16xi32>], vector<16xi32>,
          %parallel_loop3A_254 = arith.constant 0 : i32
          %parallel_loop3A_255 = vector.broadcast %parallel_loop3A_254 : i32 to vector<16xi32>
          %parallel_loop3A_256 = arith.addi %iota3A, %parallel_loop3A_255 : vector<16xi32>
          %parallel_loop3A_257 = tpu.vector_load_idx %arg6[%parallel_loop3A_256, %parallel_loop3A_250] : memref<49x256xf32, #tpu.memory_space<vmem>>[vector<16xi32>, vector<16xi32>], vector<16xf32>,
          %parallel_loop3A_258 = arith.addi %parallel_loop3A_253, %add3A_87 : vector<16xi32>
          tpu.vector_store_idx %arg5[%parallel_loop3A_258], %parallel_loop3A_257 {add = true} : memref<65536xf32, #tpu.memory_space<vmem>>[vector<16xi32>], vector<16xf32>,
          %parallel_loop3A_259 = arith.constant 16 : i32
          %parallel_loop3A_260 = vector.broadcast %parallel_loop3A_259 : i32 to vector<16xi32>
          %parallel_loop3A_261 = arith.addi %iota3A, %parallel_loop3A_260 : vector<16xi32>
          %parallel_loop3A_262 = tpu.vector_load_idx %arg6[%parallel_loop3A_261, %parallel_loop3A_250] : memref<49x256xf32, #tpu.memory_space<vmem>>[vector<16xi32>, vector<16xi32>], vector<16xf32>,
          %parallel_loop3A_263 = arith.addi %parallel_loop3A_253, %add3A_96 : vector<16xi32>
          tpu.vector_store_idx %arg5[%parallel_loop3A_263], %parallel_loop3A_262 {add = true} : memref<65536xf32, #tpu.memory_space<vmem>>[vector<16xi32>], vector<16xf32>,
          %parallel_loop3A_264 = arith.constant 32 : i32
          %parallel_loop3A_265 = vector.broadcast %parallel_loop3A_264 : i32 to vector<16xi32>
          %parallel_loop3A_266 = arith.addi %iota3A, %parallel_loop3A_265 : vector<16xi32>
          %parallel_loop3A_267 = tpu.vector_load_idx %arg6[%parallel_loop3A_266, %parallel_loop3A_250] : memref<49x256xf32, #tpu.memory_space<vmem>>[vector<16xi32>, vector<16xi32>], vector<16xf32>,
          %parallel_loop3A_268 = arith.addi %parallel_loop3A_253, %add3A_105 : vector<16xi32>
          tpu.vector_store_idx %arg5[%parallel_loop3A_268], %parallel_loop3A_267 {add = true} : memref<65536xf32, #tpu.memory_space<vmem>>[vector<16xi32>], vector<16xf32>,
          %parallel_loop3A_269 = arith.constant 48 : i32
          %parallel_loop3A_270 = vector.broadcast %parallel_loop3A_269 : i32 to vector<16xi32>
          %parallel_loop3A_271 = arith.addi %iota3A, %parallel_loop3A_270 : vector<16xi32>
          %parallel_loop3A_272 = tpu.vector_load_idx %arg6[%parallel_loop3A_271, %parallel_loop3A_250] masked %lt3A_120 : memref<49x256xf32, #tpu.memory_space<vmem>>[vector<16xi32>, vector<16xi32>], vector<16xf32>, vector<16xi1>
          %parallel_loop3A_273 = arith.addi %parallel_loop3A_253, %add3A_114 : vector<16xi32>
          tpu.vector_store_idx %arg5[%parallel_loop3A_273], %parallel_loop3A_272 masked %lt3A_120 {add = true} : memref<65536xf32, #tpu.memory_space<vmem>>[vector<16xi32>], vector<16xf32>, vector<16xi1>
        } {sc.loop_unroll_factor = 8 : i64, sc.parallel_access}
        %add3A_237 = arith.constant 1 : i32
        %add3A_238 = arith.addi %add3A_214, %add3A_237 : i32
        %lt3A_239 = arith.cmpi slt, %add3A_238, %select_n3A_154 : i32
        %convert_element_type3A_240 = arith.extui %lt3A_239 : i1 to i32
        %cond3A_241 = arith.constant 0 : i32
        %cond3A_242 = arith.cmpi ne, %convert_element_type3A_240, %cond3A_241 : i32
        scf.if %cond3A_242 {
          %mul3A_249 = arith.constant 49 : i32
          %mul3A_250 = arith.muli %select_n3A_76, %mul3A_249 : i32
          %mul3A_251 = arith.constant 256 : i32
          %mul3A_252 = arith.muli %add3A_238, %mul3A_251 : i32
          %dma_wait3A_253 = arith.constant 0 : i32
          %dma_wait3A_254 = tpu.memref_slice %arg2[%select_n3A_60, %mul3A_250, %dma_wait3A_253, %mul3A_252] : memref<2x147x1x65536xf32, #tpu.memory_space<hbm>> -> memref<1x49x1x256xf32, #tpu.memory_space<hbm>>
          %dma_wait3A_255 = tpu.memref_squeeze %dma_wait3A_254 : memref<1x49x1x256xf32, #tpu.memory_space<hbm>> -> memref<49x256xf32, #tpu.memory_space<hbm>>
          %dma_wait3A_256 = tpu.memref_slice %arg2[%select_n3A_60, %mul3A_250, %dma_wait3A_253, %mul3A_252] : memref<2x147x1x65536xf32, #tpu.memory_space<hbm>> -> memref<1x49x1x256xf32, #tpu.memory_space<hbm>>
          %dma_wait3A_257 = tpu.memref_squeeze %dma_wait3A_256 : memref<1x49x1x256xf32, #tpu.memory_space<hbm>> -> memref<49x256xf32, #tpu.memory_space<hbm>>
          tpu.wait_dma2 semaphore(%arg11 : memref<!tpu.dma_semaphore, #tpu.memory_space<semaphore_mem>>) src(%dma_wait3A_257 : memref<49x256xf32, #tpu.memory_space<hbm>>) dst(%arg7 : memref<49x256xf32, #tpu.memory_space<vmem>>)
          %add3A_258 = arith.constant 2 : i32
          %add3A_259 = arith.addi %add3A_238, %add3A_258 : i32
          %lt3A_260 = arith.cmpi slt, %add3A_259, %select_n3A_154 : i32
          %convert_element_type3A_261 = arith.extui %lt3A_260 : i1 to i32
          %cond3A_262 = arith.constant 0 : i32
          %cond3A_263 = arith.cmpi ne, %convert_element_type3A_261, %cond3A_262 : i32
          scf.if %cond3A_263 {
            %add3A_270 = arith.constant 2 : i32
            %add3A_271 = arith.addi %add3A_238, %add3A_270 : i32
            %mul3A_272 = arith.constant 49 : i32
            %mul3A_273 = arith.muli %select_n3A_76, %mul3A_272 : i32
            %mul3A_274 = arith.constant 256 : i32
            %mul3A_275 = arith.muli %add3A_271, %mul3A_274 : i32
            %dma_start3A_276 = arith.constant 0 : i32
            %dma_start3A_277 = tpu.memref_slice %arg2[%select_n3A_60, %mul3A_273, %dma_start3A_276, %mul3A_275] : memref<2x147x1x65536xf32, #tpu.memory_space<hbm>> -> memref<1x49x1x256xf32, #tpu.memory_space<hbm>>
            %dma_start3A_278 = tpu.memref_squeeze %dma_start3A_277 : memref<1x49x1x256xf32, #tpu.memory_space<hbm>> -> memref<49x256xf32, #tpu.memory_space<hbm>>
            %dma_start3A_279 = tpu.memref_slice %arg2[%select_n3A_60, %mul3A_273, %dma_start3A_276, %mul3A_275] : memref<2x147x1x65536xf32, #tpu.memory_space<hbm>> -> memref<1x49x1x256xf32, #tpu.memory_space<hbm>>
            %dma_start3A_280 = tpu.memref_squeeze %dma_start3A_279 : memref<1x49x1x256xf32, #tpu.memory_space<hbm>> -> memref<49x256xf32, #tpu.memory_space<hbm>>
            tpu.enqueue_dma source(%dma_start3A_280 : memref<49x256xf32, #tpu.memory_space<hbm>>) target(%arg6 : memref<49x256xf32, #tpu.memory_space<vmem>>) target_semaphore(%arg10 : memref<!tpu.dma_semaphore, #tpu.memory_space<semaphore_mem>>)
          } else {
          }
          %mul3A_264 = arith.constant 256 : i32
          %mul3A_265 = arith.muli %add3A_238, %mul3A_264 : i32
          %sub3A_266 = arith.subi %mul3A_265, %min3A_157 : i32
          %parallel_loop3A_267 = arith.constant 0 : i32
          %parallel_loop3A_268 = arith.constant 256 : i32
          %parallel_loop3A_269 = arith.constant 1 : i32
          scf.for %parallel_loop3A_270 = %parallel_loop3A_267 to %parallel_loop3A_268 step %parallel_loop3A_269  : i32 {
            %parallel_loop3A_271 = vector.broadcast %parallel_loop3A_270 : i32 to vector<16xi32>
            %parallel_loop3A_272 = vector.broadcast %sub3A_266 : i32 to vector<16xi32>
            %parallel_loop3A_273 = arith.addi %parallel_loop3A_271, %parallel_loop3A_272 : vector<16xi32>
            %parallel_loop3A_274 = tpu.vector_load_idx %arg9[%parallel_loop3A_273] : memref<13312xi32, #tpu.memory_space<vmem>>[vector<16xi32>], vector<16xi32>,
            %parallel_loop3A_275 = arith.constant 0 : i32
            %parallel_loop3A_276 = vector.broadcast %parallel_loop3A_275 : i32 to vector<16xi32>
            %parallel_loop3A_277 = arith.addi %iota3A, %parallel_loop3A_276 : vector<16xi32>
            %parallel_loop3A_278 = tpu.vector_load_idx %arg7[%parallel_loop3A_277, %parallel_loop3A_271] : memref<49x256xf32, #tpu.memory_space<vmem>>[vector<16xi32>, vector<16xi32>], vector<16xf32>,
            %parallel_loop3A_279 = arith.addi %parallel_loop3A_274, %add3A_87 : vector<16xi32>
            tpu.vector_store_idx %arg5[%parallel_loop3A_279], %parallel_loop3A_278 {add = true} : memref<65536xf32, #tpu.memory_space<vmem>>[vector<16xi32>], vector<16xf32>,
            %parallel_loop3A_280 = arith.constant 16 : i32
            %parallel_loop3A_281 = vector.broadcast %parallel_loop3A_280 : i32 to vector<16xi32>
            %parallel_loop3A_282 = arith.addi %iota3A, %parallel_loop3A_281 : vector<16xi32>
            %parallel_loop3A_283 = tpu.vector_load_idx %arg7[%parallel_loop3A_282, %parallel_loop3A_271] : memref<49x256xf32, #tpu.memory_space<vmem>>[vector<16xi32>, vector<16xi32>], vector<16xf32>,
            %parallel_loop3A_284 = arith.addi %parallel_loop3A_274, %add3A_96 : vector<16xi32>
            tpu.vector_store_idx %arg5[%parallel_loop3A_284], %parallel_loop3A_283 {add = true} : memref<65536xf32, #tpu.memory_space<vmem>>[vector<16xi32>], vector<16xf32>,
            %parallel_loop3A_285 = arith.constant 32 : i32
            %parallel_loop3A_286 = vector.broadcast %parallel_loop3A_285 : i32 to vector<16xi32>
            %parallel_loop3A_287 = arith.addi %iota3A, %parallel_loop3A_286 : vector<16xi32>
            %parallel_loop3A_288 = tpu.vector_load_idx %arg7[%parallel_loop3A_287, %parallel_loop3A_271] : memref<49x256xf32, #tpu.memory_space<vmem>>[vector<16xi32>, vector<16xi32>], vector<16xf32>,
            %parallel_loop3A_289 = arith.addi %parallel_loop3A_274, %add3A_105 : vector<16xi32>
            tpu.vector_store_idx %arg5[%parallel_loop3A_289], %parallel_loop3A_288 {add = true} : memref<65536xf32, #tpu.memory_space<vmem>>[vector<16xi32>], vector<16xf32>,
            %parallel_loop3A_290 = arith.constant 48 : i32
            %parallel_loop3A_291 = vector.broadcast %parallel_loop3A_290 : i32 to vector<16xi32>
            %parallel_loop3A_292 = arith.addi %iota3A, %parallel_loop3A_291 : vector<16xi32>
            %parallel_loop3A_293 = tpu.vector_load_idx %arg7[%parallel_loop3A_292, %parallel_loop3A_271] masked %lt3A_120 : memref<49x256xf32, #tpu.memory_space<vmem>>[vector<16xi32>, vector<16xi32>], vector<16xf32>, vector<16xi1>
            %parallel_loop3A_294 = arith.addi %parallel_loop3A_274, %add3A_114 : vector<16xi32>
            tpu.vector_store_idx %arg5[%parallel_loop3A_294], %parallel_loop3A_293 masked %lt3A_120 {add = true} : memref<65536xf32, #tpu.memory_space<vmem>>[vector<16xi32>], vector<16xf32>, vector<16xi1>
          } {sc.loop_unroll_factor = 8 : i64, sc.parallel_access}
        } else {
        }
        %add3A_243 = arith.constant 2 : i32
        %add3A_244 = arith.addi %add3A_214, %add3A_243 : i32
        %lt3A_245 = arith.cmpi slt, %add3A_244, %select_n3A_154 : i32
        %convert_element_type3A_246 = arith.extui %lt3A_245 : i1 to i32
        %cond3A_247 = arith.constant 0 : i32
        %cond3A_248 = arith.cmpi ne, %convert_element_type3A_246, %cond3A_247 : i32
        scf.if %cond3A_248 {
          %mul3A_249 = arith.constant 49 : i32
          %mul3A_250 = arith.muli %select_n3A_76, %mul3A_249 : i32
          %mul3A_251 = arith.constant 256 : i32
          %mul3A_252 = arith.muli %add3A_244, %mul3A_251 : i32
          %dma_wait3A_253 = arith.constant 0 : i32
          %dma_wait3A_254 = tpu.memref_slice %arg2[%select_n3A_60, %mul3A_250, %dma_wait3A_253, %mul3A_252] : memref<2x147x1x65536xf32, #tpu.memory_space<hbm>> -> memref<1x49x1x256xf32, #tpu.memory_space<hbm>>
          %dma_wait3A_255 = tpu.memref_squeeze %dma_wait3A_254 : memref<1x49x1x256xf32, #tpu.memory_space<hbm>> -> memref<49x256xf32, #tpu.memory_space<hbm>>
          %dma_wait3A_256 = tpu.memref_slice %arg2[%select_n3A_60, %mul3A_250, %dma_wait3A_253, %mul3A_252] : memref<2x147x1x65536xf32, #tpu.memory_space<hbm>> -> memref<1x49x1x256xf32, #tpu.memory_space<hbm>>
          %dma_wait3A_257 = tpu.memref_squeeze %dma_wait3A_256 : memref<1x49x1x256xf32, #tpu.memory_space<hbm>> -> memref<49x256xf32, #tpu.memory_space<hbm>>
          tpu.wait_dma2 semaphore(%arg12 : memref<!tpu.dma_semaphore, #tpu.memory_space<semaphore_mem>>) src(%dma_wait3A_257 : memref<49x256xf32, #tpu.memory_space<hbm>>) dst(%arg8 : memref<49x256xf32, #tpu.memory_space<vmem>>)
          %add3A_258 = arith.constant 2 : i32
          %add3A_259 = arith.addi %add3A_244, %add3A_258 : i32
          %lt3A_260 = arith.cmpi slt, %add3A_259, %select_n3A_154 : i32
          %convert_element_type3A_261 = arith.extui %lt3A_260 : i1 to i32
          %cond3A_262 = arith.constant 0 : i32
          %cond3A_263 = arith.cmpi ne, %convert_element_type3A_261, %cond3A_262 : i32
          scf.if %cond3A_263 {
            %add3A_270 = arith.constant 2 : i32
            %add3A_271 = arith.addi %add3A_244, %add3A_270 : i32
            %mul3A_272 = arith.constant 49 : i32
            %mul3A_273 = arith.muli %select_n3A_76, %mul3A_272 : i32
            %mul3A_274 = arith.constant 256 : i32
            %mul3A_275 = arith.muli %add3A_271, %mul3A_274 : i32
            %dma_start3A_276 = arith.constant 0 : i32
            %dma_start3A_277 = tpu.memref_slice %arg2[%select_n3A_60, %mul3A_273, %dma_start3A_276, %mul3A_275] : memref<2x147x1x65536xf32, #tpu.memory_space<hbm>> -> memref<1x49x1x256xf32, #tpu.memory_space<hbm>>
            %dma_start3A_278 = tpu.memref_squeeze %dma_start3A_277 : memref<1x49x1x256xf32, #tpu.memory_space<hbm>> -> memref<49x256xf32, #tpu.memory_space<hbm>>
            %dma_start3A_279 = tpu.memref_slice %arg2[%select_n3A_60, %mul3A_273, %dma_start3A_276, %mul3A_275] : memref<2x147x1x65536xf32, #tpu.memory_space<hbm>> -> memref<1x49x1x256xf32, #tpu.memory_space<hbm>>
            %dma_start3A_280 = tpu.memref_squeeze %dma_start3A_279 : memref<1x49x1x256xf32, #tpu.memory_space<hbm>> -> memref<49x256xf32, #tpu.memory_space<hbm>>
            tpu.enqueue_dma source(%dma_start3A_280 : memref<49x256xf32, #tpu.memory_space<hbm>>) target(%arg7 : memref<49x256xf32, #tpu.memory_space<vmem>>) target_semaphore(%arg11 : memref<!tpu.dma_semaphore, #tpu.memory_space<semaphore_mem>>)
          } else {
          }
          %mul3A_264 = arith.constant 256 : i32
          %mul3A_265 = arith.muli %add3A_244, %mul3A_264 : i32
          %sub3A_266 = arith.subi %mul3A_265, %min3A_157 : i32
          %parallel_loop3A_267 = arith.constant 0 : i32
          %parallel_loop3A_268 = arith.constant 256 : i32
          %parallel_loop3A_269 = arith.constant 1 : i32
          scf.for %parallel_loop3A_270 = %parallel_loop3A_267 to %parallel_loop3A_268 step %parallel_loop3A_269  : i32 {
            %parallel_loop3A_271 = vector.broadcast %parallel_loop3A_270 : i32 to vector<16xi32>
            %parallel_loop3A_272 = vector.broadcast %sub3A_266 : i32 to vector<16xi32>
            %parallel_loop3A_273 = arith.addi %parallel_loop3A_271, %parallel_loop3A_272 : vector<16xi32>
            %parallel_loop3A_274 = tpu.vector_load_idx %arg9[%parallel_loop3A_273] : memref<13312xi32, #tpu.memory_space<vmem>>[vector<16xi32>], vector<16xi32>,
            %parallel_loop3A_275 = arith.constant 0 : i32
            %parallel_loop3A_276 = vector.broadcast %parallel_loop3A_275 : i32 to vector<16xi32>
            %parallel_loop3A_277 = arith.addi %iota3A, %parallel_loop3A_276 : vector<16xi32>
            %parallel_loop3A_278 = tpu.vector_load_idx %arg8[%parallel_loop3A_277, %parallel_loop3A_271] : memref<49x256xf32, #tpu.memory_space<vmem>>[vector<16xi32>, vector<16xi32>], vector<16xf32>,
            %parallel_loop3A_279 = arith.addi %parallel_loop3A_274, %add3A_87 : vector<16xi32>
            tpu.vector_store_idx %arg5[%parallel_loop3A_279], %parallel_loop3A_278 {add = true} : memref<65536xf32, #tpu.memory_space<vmem>>[vector<16xi32>], vector<16xf32>,
            %parallel_loop3A_280 = arith.constant 16 : i32
            %parallel_loop3A_281 = vector.broadcast %parallel_loop3A_280 : i32 to vector<16xi32>
            %parallel_loop3A_282 = arith.addi %iota3A, %parallel_loop3A_281 : vector<16xi32>
            %parallel_loop3A_283 = tpu.vector_load_idx %arg8[%parallel_loop3A_282, %parallel_loop3A_271] : memref<49x256xf32, #tpu.memory_space<vmem>>[vector<16xi32>, vector<16xi32>], vector<16xf32>,
            %parallel_loop3A_284 = arith.addi %parallel_loop3A_274, %add3A_96 : vector<16xi32>
            tpu.vector_store_idx %arg5[%parallel_loop3A_284], %parallel_loop3A_283 {add = true} : memref<65536xf32, #tpu.memory_space<vmem>>[vector<16xi32>], vector<16xf32>,
            %parallel_loop3A_285 = arith.constant 32 : i32
            %parallel_loop3A_286 = vector.broadcast %parallel_loop3A_285 : i32 to vector<16xi32>
            %parallel_loop3A_287 = arith.addi %iota3A, %parallel_loop3A_286 : vector<16xi32>
            %parallel_loop3A_288 = tpu.vector_load_idx %arg8[%parallel_loop3A_287, %parallel_loop3A_271] : memref<49x256xf32, #tpu.memory_space<vmem>>[vector<16xi32>, vector<16xi32>], vector<16xf32>,
            %parallel_loop3A_289 = arith.addi %parallel_loop3A_274, %add3A_105 : vector<16xi32>
            tpu.vector_store_idx %arg5[%parallel_loop3A_289], %parallel_loop3A_288 {add = true} : memref<65536xf32, #tpu.memory_space<vmem>>[vector<16xi32>], vector<16xf32>,
            %parallel_loop3A_290 = arith.constant 48 : i32
            %parallel_loop3A_291 = vector.broadcast %parallel_loop3A_290 : i32 to vector<16xi32>
            %parallel_loop3A_292 = arith.addi %iota3A, %parallel_loop3A_291 : vector<16xi32>
            %parallel_loop3A_293 = tpu.vector_load_idx %arg8[%parallel_loop3A_292, %parallel_loop3A_271] masked %lt3A_120 : memref<49x256xf32, #tpu.memory_space<vmem>>[vector<16xi32>, vector<16xi32>], vector<16xf32>, vector<16xi1>
            %parallel_loop3A_294 = arith.addi %parallel_loop3A_274, %add3A_114 : vector<16xi32>
            tpu.vector_store_idx %arg5[%parallel_loop3A_294], %parallel_loop3A_293 masked %lt3A_120 {add = true} : memref<65536xf32, #tpu.memory_space<vmem>>[vector<16xi32>], vector<16xf32>, vector<16xi1>
          } {sc.loop_unroll_factor = 8 : i64, sc.parallel_access}
        } else {
        }
      }
      "tpu.region"() ({
        %run_scoped3A = tpu.sem_alloc : memref<!tpu.dma_semaphore, #tpu.memory_space<semaphore_mem>>
        %dma_start3A_211 = arith.constant 0 : i32
        %dma_start3A_212 = tpu.memref_slice %arg4[%add3A, %dma_start3A_211] : memref<30x65536xf32, #tpu.memory_space<hbm>> -> memref<1x65536xf32, #tpu.memory_space<hbm>>
        %dma_start3A_213 = tpu.memref_squeeze %dma_start3A_212 : memref<1x65536xf32, #tpu.memory_space<hbm>> -> memref<65536xf32, #tpu.memory_space<hbm>>
        %dma_start3A_214 = arith.constant 0 : i32
        %dma_start3A_215 = tpu.memref_slice %arg4[%add3A, %dma_start3A_214] : memref<30x65536xf32, #tpu.memory_space<hbm>> -> memref<1x65536xf32, #tpu.memory_space<hbm>>
        %dma_start3A_216 = tpu.memref_squeeze %dma_start3A_215 : memref<1x65536xf32, #tpu.memory_space<hbm>> -> memref<65536xf32, #tpu.memory_space<hbm>>
        tpu.enqueue_dma source(%arg5 : memref<65536xf32, #tpu.memory_space<vmem>>) target(%dma_start3A_216 : memref<65536xf32, #tpu.memory_space<hbm>>) target_semaphore(%run_scoped3A : memref<!tpu.dma_semaphore, #tpu.memory_space<semaphore_mem>>)
        %dma_wait3A = arith.constant 0 : i32
        %dma_wait3A_217 = tpu.memref_slice %arg4[%add3A, %dma_wait3A] : memref<30x65536xf32, #tpu.memory_space<hbm>> -> memref<1x65536xf32, #tpu.memory_space<hbm>>
        %dma_wait3A_218 = tpu.memref_squeeze %dma_wait3A_217 : memref<1x65536xf32, #tpu.memory_space<hbm>> -> memref<65536xf32, #tpu.memory_space<hbm>>
        %dma_wait3A_219 = arith.constant 0 : i32
        %dma_wait3A_220 = tpu.memref_slice %arg4[%add3A, %dma_wait3A_219] : memref<30x65536xf32, #tpu.memory_space<hbm>> -> memref<1x65536xf32, #tpu.memory_space<hbm>>
        %dma_wait3A_221 = tpu.memref_squeeze %dma_wait3A_220 : memref<1x65536xf32, #tpu.memory_space<hbm>> -> memref<65536xf32, #tpu.memory_space<hbm>>
        tpu.wait_dma2 semaphore(%run_scoped3A : memref<!tpu.dma_semaphore, #tpu.memory_space<semaphore_mem>>) src(%arg5 : memref<65536xf32, #tpu.memory_space<vmem>>) dst(%dma_wait3A_221 : memref<65536xf32, #tpu.memory_space<hbm>>)
        tpu.yield
      }) : () -> ()
    } else {
    }
    return
  }
}

module attributes {stable_mosaic.version = 14 : i64} {
  func.func @_reduce_body(%arg0: i32, %arg1: memref<1x5x512x128xf32, #tpu.memory_space<vmem>>, %arg2: memref<1x512x128xf32, #tpu.memory_space<vmem>>) attributes {dimension_semantics = [#tpu.dimension_semantics<arbitrary>], iteration_bounds = array<i64: 6>, scalar_prefetch = 0 : i64, scratch_operands = 0 : i64, tpu.core_type = #tpu.core_type<tc>, window_params = [{transform_indices = @transform_0, window_bounds = array<i64: 1, 5, 512, 128>}, {transform_indices = @transform_1, window_bounds = array<i64: 1, 512, 128>}]} {
    %get3A = arith.constant 0 : index
    %get3A_0 = arith.constant 0 : index
    %get3A_1 = arith.constant 0 : index
    %get3A_2 = arith.constant 0 : index
    %get3A_3 = vector.load %arg1[%get3A, %get3A_0, %get3A_1, %get3A_2] : memref<1x5x512x128xf32, #tpu.memory_space<vmem>>, vector<1x5x512x128xf32>
    %reduce_sum3A = arith.constant dense<0.000000e+00> : vector<1x512x128xf32>
    %reduce_sum3A_4 = vector.multi_reduction <add>, %get3A_3, %reduce_sum3A [1] : vector<1x5x512x128xf32> to vector<1x512x128xf32>
    %swap3A = arith.constant 0 : index
    %swap3A_5 = arith.constant 0 : index
    %swap3A_6 = arith.constant 0 : index
    %swap3A_7 = vector.load %arg2[%swap3A, %swap3A_5, %swap3A_6] : memref<1x512x128xf32, #tpu.memory_space<vmem>>, vector<1x512x128xf32>
    tpu.vector_store %arg2[%swap3A, %swap3A_5, %swap3A_6], %reduce_sum3A_4 {strides = array<i32>} : memref<1x512x128xf32, #tpu.memory_space<vmem>>, vector<1x512x128xf32>,
    return
  }
  func.func @transform_0(%arg0: i32) -> (i32, i32, i32, i32) {
    %c0_i32 = arith.constant 0 : i32
    %c0_i32_0 = arith.constant 0 : i32
    %c0_i32_1 = arith.constant 0 : i32
    %c0_i32_2 = arith.constant 0 : i32
    return %arg0, %c0_i32, %c0_i32_0, %c0_i32_1 : i32, i32, i32, i32
  }
  func.func @transform_1(%arg0: i32) -> (i32, i32, i32) {
    %c0_i32 = arith.constant 0 : i32
    %c0_i32_0 = arith.constant 0 : i32
    %c0_i32_1 = arith.constant 0 : i32
    return %arg0, %c0_i32, %c0_i32_0 : i32, i32, i32
  }
}

</mosaic_0001>

<sc_bundles>
// kernel: kernel.4.cloned.1.call-start
scs
__scs_entry_jumppad:
0x0: {  	(pc) =	sbr.rel $0x88, $3  }
0x1: {  	(tag) =	ssettag $0x0;
	lr =	simm.s32 $0x1  }
0x2: {  	[smem:$0x3F9F] =	sst lr;
	_ =	strace $0xD0000000  }
0x3: {  	_ = 	snop  }
0x4: {  	_ = 	snop  }
0x5: {  	_ = 	snop  }
0x6: {  	_ = 	snop  }
0x7: {  	_ = 	snop  }
__scs_overlays_trampoline_lowered:
0x8: {  	[smem:$0x3FAE] =	sst s0  }
0x9: {  	[smem:$0x3FAF] =	sst s1  }
0xa: {  	[smem:$0x3FB0] =	sst s2  }
0xb: {  	[smem:$0x3FB1] =	sst s3  }
0xc: {  	[smem:$0x3FB2] =	sst s4  }
0xd: {  	[smem:$0x3FB3] =	sst s5  }
0xe: {  	[smem:$0x3FB4] =	sst s6  }
0xf: {  	[smem:$0x3FB5] =	sst s7  }
0x10: {  	[smem:$0x3FB6] =	sst s8  }
0x11: {  	[smem:$0x3FB7] =	sst s9;
	s0 =	simm.s32 @!p0 $0x0  }
0x12: {  	s1 =	sld [smem:$0x3F9D];
	s0 =	simm.s32 @p0 $0x1  }
0x13: {  	[smem:$0x3FB8] =	sst s0;
	s0 =	simm.s32 @!p1 $0x0  }
0x14: {  	s2 =	sld [smem:$0x3F9C];
	s0 =	simm.s32 @p1 $0x1  }
0x15: {  	[smem:$0x3FB9] =	sst s0;
	s0 =	simm.s32 @!p2 $0x0  }
0x16: {  	s3 =	sld [smem:$0x3FDB];
	s0 =	simm.s32 @p2 $0x1  }
0x17: {  	s4 =	simm.s32 $0x1BF5;
	[smem:$0x3FBB] =	sst s0  }
0x18: {  	s0 =	sld [smem:$0x3F9E];
	_ =	swait.ge [sflag:s4], $0x0  }
0x19: {  	s7 =	sld [smem:$0x3F9F]  }
0x1a: {  	s8 =	sadd.s32 $0xFFFFE003, lr  }
0x1b: {  	s9 =	sadd.s32 $0xFFFFFEF7, lr;
	s5 =	simm.s32 $0xFFFFFFFF;
	p2 =	slt.u32 s8, $0xFFFFF086  }
0x1c: {  	p1 =	slt.u32 s9, $0xF7A;
	s5 =	simm.s32 @!p2 $0x0  }
0x1d: {  	s5 =	simm.s32 @p1 $0x1;
	p0 =	seq.s32 s7, s2  }
0x1e: {  	s7 =	smul.u32 @!p0 $0xF7A, s2;
	p2 =	seq.s32 @!p0 s5, $0x0  }
0x1f: {  	s9 =	smul.u32 $0xF7A, s1;
	s8 =	simm.s32 @!p0 $0x1BF5;
	p2 =	por !p2, p0  }
0x20: {  	[sflag:s8] =	ssyncset.s32 @!p0 $0xFFFFF086;
	s6 =	sadd.s32 @!p0 s3, s7;
	s7 =	simm.s32 @!p0 $0x108  }
0x21: {  	s3 =	sadd.s32 s3, s9;
	s6 =	sadd.s32 @!p0 $0x88, s6;
	s7 =	simm.s32 @p2 $0x1082  }
0x22: {  	[simem:s7], [sflag:s8] =	dma.local @!p0 [hbm:s6], $0xF7A  }
0x23: {  	s9 =	sor.u32 $0xD0000000, s2;
	s6 =	simm.s32 $0x108;
	_ =	swait.ge @!p0 [sflag:s8], $0x0  }
0x24: {  	s3 =	sadd.s32 $0x88, s3;
	s6 =	simm.s32 @!p1 $0x1082;
	[sflag:s4] =	ssyncset.s32 $0xFFFFF086  }
0x25: {  	[simem:s6], [sflag:s4] =	dma.local [hbm:s3], $0xF7A  }
0x26: {  	[smem:$0x3F9F] =	sst s1;
	(tag) =	ssettag s2;
	_ =	strace s9  }
0x27: {  	s1 =	sld [smem:$0x3FAF]  }
0x28: {  	s2 =	sld [smem:$0x3FB0]  }
0x29: {  	s4 =	sld [smem:$0x3FB2]  }
0x2a: {  	p0 =	seq.s32 s5, $0x0;
	s5 =	sld [smem:$0x3FB3]  }
0x2b: {  	s6 =	sld [smem:$0x3FB4]  }
0x2c: {  	s7 =	sld [smem:$0x3FB5]  }
0x2d: {  	s3 =	simm.s32 $0x108;
	s8 =	sld [smem:$0x3FB6]  }
0x2e: {  	s3 =	simm.s32 @!p0 $0x1082;
	s9 =	sld [smem:$0x3FB7]  }
0x2f: {  	lr =	sadd.s32 s0, s3;
	s0 =	sld [smem:$0x3FAE]  }
0x30: {  	s3 =	sld [smem:$0x3FB1]  }
0x31: {  	[smem:$0x3FBA] =	sst s10  }
0x32: {  	s10 =	sld [smem:$0x3FB8];
	_ =	sdelay $0x3  }
0x33: {  	p0 =	seq.s32 s10, $0x1;
	s10 =	sld [smem:$0x3FBA];
	_ =	sdelay $0x3  }
0x34: {  	[smem:$0x3FBA] =	sst s10  }
0x35: {  	s10 =	sld [smem:$0x3FB9];
	_ =	sdelay $0x3  }
0x36: {  	p1 =	seq.s32 s10, $0x1;
	s10 =	sld [smem:$0x3FBA];
	_ =	sdelay $0x3  }
0x37: {  	[smem:$0x3FBA] =	sst s10  }
0x38: {  	s10 =	sld [smem:$0x3FBB]  }
0x39: {  	_ = 	snop;
	(pc) =	sbr.ind lr, $3  }
0x3a: {  	_ = 	snop  }
0x3b: {  	_ = 	snop  }
0x3c: {  	p2 =	seq.s32 s10, $0x1;
	s10 =	sld [smem:$0x3FBA]  }
0x3d: {  	_ =	shalt  }
0x3e: {  	_ =	shalt  }
0x3f: {  	_ =	shalt  }
0x40: {  	_ =	shalt  }
0x41: {  	_ =	shalt  }
0x42: {  	_ =	shalt  }
0x43: {  	_ =	shalt  }
0x44: {  	_ =	shalt  }
0x45: {  	_ =	shalt  }
0x46: {  	_ =	shalt  }
0x47: {  	_ =	shalt  }
0x48: {  	_ =	shalt  }
0x49: {  	_ =	shalt  }
0x4a: {  	_ =	shalt  }
0x4b: {  	_ =	shalt  }
0x4c: {  	_ =	shalt  }
0x4d: {  	_ =	shalt  }
0x4e: {  	_ =	shalt  }
0x4f: {  	_ =	shalt  }
0x50: {  	_ =	shalt  }
0x51: {  	_ =	shalt  }
0x52: {  	_ =	shalt  }
0x53: {  	_ =	shalt  }
0x54: {  	_ =	shalt  }
0x55: {  	_ =	shalt  }
0x56: {  	_ =	shalt  }
0x57: {  	_ =	shalt  }
0x58: {  	_ =	shalt  }
0x59: {  	_ =	shalt  }
0x5a: {  	_ =	shalt  }
0x5b: {  	_ =	shalt  }
0x5c: {  	_ =	shalt  }
0x5d: {  	_ =	shalt  }
0x5e: {  	_ =	shalt  }
0x5f: {  	_ =	shalt  }
0x60: {  	_ =	shalt  }
0x61: {  	_ =	shalt  }
0x62: {  	_ =	shalt  }
0x63: {  	_ =	shalt  }
0x64: {  	_ =	shalt  }
0x65: {  	_ =	shalt  }
0x66: {  	_ =	shalt  }
0x67: {  	_ =	shalt  }
0x68: {  	_ =	shalt  }
0x69: {  	_ =	shalt  }
0x6a: {  	_ =	shalt  }
0x6b: {  	_ =	shalt  }
0x6c: {  	_ =	shalt  }
0x6d: {  	_ =	shalt  }
0x6e: {  	_ =	shalt  }
0x6f: {  	_ =	shalt  }
0x70: {  	_ =	shalt  }
0x71: {  	_ =	shalt  }
0x72: {  	_ =	shalt  }
0x73: {  	_ =	shalt  }
0x74: {  	_ =	shalt  }
0x75: {  	_ =	shalt  }
0x76: {  	_ =	shalt  }
0x77: {  	_ =	shalt  }
0x78: {  	_ =	shalt  }
0x79: {  	_ =	shalt  }
0x7a: {  	_ =	shalt  }
0x7b: {  	_ =	shalt  }
0x7c: {  	_ =	shalt  }
0x7d: {  	_ =	shalt  }
0x7e: {  	_ =	shalt  }
0x7f: {  	_ =	shalt  }
0x80: {  	_ =	shalt  }
0x81: {  	_ =	shalt  }
0x82: {  	_ =	shalt  }
0x83: {  	_ =	shalt  }
0x84: {  	_ =	shalt  }
0x85: {  	_ =	shalt  }
0x86: {  	_ =	shalt  }
0x87: {  	_ =	shalt  }
.Lfunc_end0:
.L_simem_size_0:
called_computation.1_lowered:
.L_overlay_start_0:
0x88: {  	s2 =	sld [smem:$0x3FD9]  }
0x89: {  	s3 =	sld [smem:$0x3FFE];
	_ =	sdelay $0x1  }
0x8a: {  	s1 =	srdreg.scid  }
0x8b: {  	s0 =	sand.u32 $0x1, s1  }
0x8c: {  	s17 =	sshll.u32 s0, $0xA;
	s2 =	sadd.s32 s3, s2  }
0x8d: {  	s2 =	sadd.s32 s2, s17  }
0x8e: {  	[smem:$0x3FC6] =	sst s2  }
0x8f: {  	_ = 	snop  }
0x90: {  	s2 =	sld [smem:$0x3FC8];
	(tm) =	ssettm $0x1  }
0x91: {  	s18 =	sld [smem:$0x3FFB];
	_ =	sdelay $0x3  }
0x92: {  	_ =	strace s18  }
0x93: {  	s3 =	sld [smem:$0x3FFC];
	_ =	sdelay $0x3  }
0x94: {  	_ =	strace s3  }
0x95: {  	s3 =	sld [smem:$0x3FFD];
	_ =	sdelay $0x3  }
0x96: {  	_ =	strace s3  }
0x97: {  	_ =	strace $0x8FFFFFFF  }
0x98: {  	s19 =	sld [smem:$0x3FDB];
	_ =	sdelay $0x1  }
0x99: {  	s4 =	simm.s32 $_scs_section_size  }
0x9a: {  	s5 =	simm.s32 $_size__tile_overlayer_lowered;
	s6 =	simm.s32 $_tile_overlayer_lowered  }
0x9b: {  	s22 =	simm.s32 $0x1BFF;
	s21 =	sshll.u32 s6, $0x1;
	s3 =	sadd.s32 s4, s19  }
0x9c: {  	s7 =	simm.s32 $0x0;
	s20 =	sshll.u32 s5, $0x1;
	s5 =	sadd.s32 s21, s3  }
0x9d: {  	[timem:s7], [sflag:s22] =	dma.local [hbm:s5], s20  }
0x9e: {  	_ =	swait.ge [sflag:s22], s20  }
0x9f: {  	s4 =	ssub.s32 $0x0, s20;
	[sflag:s22] =	ssyncset.done $0x0  }
0xa0: {  	[sflag:s22] =	ssyncadd.s32 s4;
	_ =	sdelay $0x1  }
0xa1: {  	s23 =	simm.s32 $0x1B8B  }
0xa2: {  	_ =	swait.ge [sflag:s23], $0x1  }
0xa3: {  	[sflag:s23] =	ssyncset.done $0x0  }
0xa4: {  	s25 =	simm.s32 $0x1B8E;
	s24 =	sld [smem:$0x3FFE];
	[sflag:s23] =	ssyncadd.s32 $0xFFFFFFFF  }
0xa5: {  	s26 =	simm.s32 $execute0_lowered;
	[smem:$0x3FD2] =	sst s25  }
0xa6: {  	s5 =	sshll.u32 s26, $0x1;
	_ =	strace $0x80000049;
	[dreg:$0x1] =	wrdreg $0xFFFFFFFF  }
0xa7: {  	s28 =	simm.s32 $_size_execute0_lowered;
	s3 =	sadd.s32 s3, s5;
	[dreg:$0x0] =	wrdreg $0x0  }
0xa8: {  	s5 =	sshll.u32 s28, $0x1;
	[dreg:$0x2] =	wrdreg s3  }
0xa9: {  	[dreg:$0x3] =	wrdreg s5  }
0xaa: {  	[dreg:$0x4] =	wrdreg $0xC0  }
0xab: {  	_ =	task [dreg:s7], $0x5FFFF  }
0xac: {  	[dreg:$0x1] =	wrdreg $0xFFFFFFFF  }
0xad: {  	[dreg:$0x0] =	wrdreg $0x60  }
0xae: {  	[dreg:$0x2] =	wrdreg s24  }
0xaf: {  	[dreg:$0x3] =	wrdreg s2  }
0xb0: {  	[dreg:$0x4] =	wrdreg $0x9  }
0xb1: {  	_ =	task.clear_ibuf [dreg:s7], $0x5FFFF;
	_ =	strace $0x90000049  }
0xb2: {  	s29 =	simm.s32 $0x9;
	_ =	strace $0x8000004B  }
0xb3: {  	_ =	swait.ge [sflag:s29], $0x1  }
0xb4: {  	[sflag:s29] =	ssyncadd.s32 $0xFFFFFFFF  }
0xb5: {  	_ =	strace $0x9000004B  }
0xb6: {  	_ =	sfence  }
0xb7: {  	s30 =	sld [smem:$0x0];
	_ =	sdelay $0x2  }
0xb8: {  	s31 =	sshll.u32 s1, $0xD;
	s1 =	sshrl.u32 s1, $0x2  }
0xb9: {  	s3 =	sand.u32 $0x4000, s31;
	s1 =	sadd.s32 s1, s30  }
0xba: {  	s0 =	sor.u32 s3, s0;
	s1 =	sshll.u32 s1, $0x11  }
0xbb: {  	s0 =	sor.u32 s1, s0  }
0xbc: {  	s0 =	sadd.s32 $0x8F2B, s0  }
0xbd: {  	[sflag:s0] =	ssyncadd.remote.s32 $0x1  }
0xbe: {  	_ =	sfence.sel $0xFFFF  }
0xbf: {  	[dreg:$0x0] =	wrdreg $0xFFFFFFFF;
	(pc) =	sbr.abs _section_cstart, $3  }
0xc0: {  	[dreg:$0x1] =	wrdreg $0xFFFFFFFF  }
0xc1: {  	_ =	task.clear_ibuf [dreg:s7], $0x2FFFF;
	_ =	strace $0x9FFFFFFF  }
0xc2: {  	(tm) =	ssettm $0x7FFFFFFF  }
0xc3: {  	_ =	shalt  }
tec
execute0_lowered:
.L_overlay_start_1:
0x0: {  	(tag) =	ssettag $0x1  }
0x1: {  	v0 =	vimm.s32 $0xB80;
	vm14 =	vcmask $0x300;
	vm13 =	vcmask $0x704  }
0x2: {  	vm12 =	vcmask $0xB08;
	v1 =	vimm.s32 $0x6543210;
	vm11 =	vcmask $0xF0C  }
0x3: {  	vm10 =	vcmask $0x1310;
	vm9 =	vcmask $0x1714;
	vm8 =	vcmask $0x1B18  }
0x4: {  	vm0 =	vcmask $0x1B00;
	vm7 =	vcmask $0x1F1C;
	vm6 =	vcmask $0x2320  }
0x5: {  	vm1 =	vcmask $0x2724;
	vm15 =	vcmask $0x2B28;
	vm5 =	vcmask $0x2F2C  }
0x6: {  	vm2 =	vcmask $0x3330;
	vm3 =	vcmask $0x3734;
	vm4 =	vcmask $0x3B38  }
0x7: {  	v4 =	vimm.s32 $0x403;
	v5 =	vimm.s32 $0x2B80;
	v6 =	vimm.s32 $0x605  }
0x8: {  	v7 =	vimm.s32 $0x3B80;
	v8 =	vimm.s32 $0x900;
	v0 =	vsel vm14, $0x0, v0  }
0x9: {  	v1 =	vunpack.c.l.s4.s8 v1;
	v4 =	vsel vm14, $0x202, v4;
	v5 =	vsel vm14, $0x2000, v5  }
0xa: {  	v6 =	vsel vm14, $0x404, v6;
	v7 =	vsel vm14, $0x3000, v7;
	v8 =	vsel vm14, $0x606, v8  }
0xb: {  	v0 =	vsel vm13, $0x80, v0;
	v4 =	vsel vm13, $0x203, v4;
	v5 =	vsel vm13, $0x2080, v5  }
0xc: {  	s18 =	stileid.u32;
	v6 =	vsel vm13, $0x405, v6;
	v7 =	vsel vm13, $0x3080, v7;
	v8 =	vsel vm13, $0x700, v8  }
0xd: {  	s0 =	srdreg.scid;
	s5 =	rddreg [dreg:$0x0];
	v0 =	vsel vm12, $0x100, v0;
	v1 =	vunpack.c.0.s8.s32 v1;
	v4 =	vsel vm12, $0x204, v4  }
0xe: {  	s2 =	simm.s32 $0x0;
	s4 =	sand.u32 $0x1, s0;
	s15 =	sshll.u32 s18, $0x1;
	v5 =	vsel vm12, $0x2100, v5;
	v6 =	vsel vm12, $0x406, v6;
	v7 =	vsel vm12, $0x3100, v7  }
0xf: {  	s3 =	sshll.u32 s18, $0xE;
	[smem:$0x7FF] =	sst s2;
	s0 =	sor.u32 s4, s15;
	v8 =	vsel vm12, $0x701, v8;
	v0 =	vsel vm11, $0x180, v0;
	v4 =	vsel vm11, $0x205, v4  }
0x10: {  	s9 =	rddreg [dreg:$0x1];
	_ =	strace $0x8000004A;
	s1 =	smul.u32 $0x34, s0;
	v5 =	vsel vm11, $0x2180, v5;
	v6 =	vsel vm11, $0x500, v6;
	v7 =	vsel vm11, $0x3180, v7  }
0x11: {  	s11 =	simm.s32 $0x1;
	s8 =	sand.u32 $0x30000, s3;
	s3 =	sadd.s32 $0x260800, s5;
	v8 =	vsel vm11, $0x702, v8;
	v0 =	vsel vm10, $0x200, v0;
	v1 =	vnsel vm0, $0x201, v1  }
0x12: {  	s19 =	ssub.s32 $0x2, s4;
	s17 =	smul.u32 $0x23, s0;
	s6 =	sshrl.u32 s1, $0x8;
	v4 =	vsel vm10, $0x206, v4;
	v5 =	vsel vm10, $0x2200, v5;
	v6 =	vsel vm10, $0x501, v6  }
0x13: {  	s4 =	simm.s32 $0x34;
	s21 =	sshrl.u32 s19, $0x1;
	v7 =	vsel vm10, $0x3200, v7;
	v8 =	vsel vm10, $0x703, v8;
	v0 =	vsel vm9, $0x280, v0;
	s1 =	smul.u32 $0x56, s6  }
0x14: {  	p0 =	slt.u32 s0, $0x5;
	s14 =	ssub.s32 s19, s21;
	v1 =	vsel vm7, $0x100, v1;
	s7 =	smul.u32 $0x5, s6;
	v4 =	vsel vm9, $0x300, v4;
	v5 =	vsel vm9, $0x2280, v5  }
0x15: {  	s19 =	simm.s32 $0x13800;
	s21 =	simm.s32 $0x17000;
	v6 =	vsel vm9, $0x502, v6;
	v7 =	vsel vm9, $0x3280, v7;
	v8 =	vsel vm9, $0x704, v8;
	s1 =	sshrl.u32 s1, $0x8  }
0x16: {  	s14 =	smax.u32 s14, $0x1;
	v0 =	vsel vm8, $0x300, v0;
	v1 =	vsel vm6, $0x101, v1;
	v4 =	vsel vm8, $0x301, v4;
	s16 =	ssub.s32 s0, s7;
	s10 =	smul.u32 $0x3, s1  }
0x17: {  	v5 =	vsel vm8, $0x2300, v5;
	v6 =	vsel vm8, $0x503, v6;
	v7 =	vsel vm8, $0x3300, v7;
	s7 =	sshrl.u32 s17, $0x9;
	s0 =	sshll.u32 s0, $0x4;
	s1 =	sadd.s32 s8, s5  }
0x18: {  	v8 =	vsel vm8, $0x705, v8;
	v0 =	vsel vm7, $0x380, v0;
	v1 =	vsel vm1, $0x102, v1;
	s20 =	sand.u32 $0xFF, s16;
	s0 =	sand.u32 $0x70, s0;
	s6 =	ssub.s32 s6, s10  }
0x19: {  	v4 =	vsel vm7, $0x302, v4;
	v5 =	vsel vm7, $0x2380, v5;
	v6 =	vsel vm7, $0x504, v6;
	s5 =	simm.s32 $0x34;
	s0 =	sadd.s32 s0, s1;
	s6 =	sand.u32 $0xFF, s6  }
0x1a: {  	v7 =	vsel vm7, $0x3380, v7;
	v8 =	vsel vm7, $0x706, v8;
	v0 =	vsel vm6, $0x800, v0;
	p2 =	seq.s32 s20, $0x2;
	s0 =	sadd.s32 $0x800, s0;
	p1 =	sne.s32 s6, $0x0  }
0x1b: {  	v1 =	vsel vm15, $0x103, v1;
	v4 =	vsel vm6, $0x303, v4;
	v0 =	vsel vm1, $0x880, v0;
	[dreg:$0x4] =	wrdreg s0;
	p1 =	por !p0, !p1;
	p0 =	seq.s32 s20, $0x1  }
0x1c: {  	v5 =	vsel vm6, $0x2800, v5;
	v6 =	vsel vm6, $0x505, v6;
	v0 =	vsel vm15, $0x900, v0;
	s0 =	simm.s32 $0x2;
	s24 =	smul.u32 $0x310000, s6;
	s4 =	simm.s32 @!p0 $0x0  }
0x1d: {  	v7 =	vsel vm6, $0x3800, v7;
	v1 =	vsel vm5, $0x104, v1;
	v0 =	vsel vm5, $0x980, v0;
	p3 =	por !p1, !p1;
	p1 =	seq.s32 s20, $0x3;
	s4 =	simm.s32 @p2 $0x67  }
0x1e: {  	v8 =	vsel vm6, $0x800, v8;
	v1 =	vsel vm2, $0x105, v1;
	v0 =	vsel vm2, $0xA00, v0;
	s11 =	simm.s32 @!p3 $0x0;
	p3 =	seq.s32 s20, $0x4;
	s4 =	simm.s32 @p1 $0x9A  }
0x1f: {  	v4 =	vsel vm1, $0x304, v4;
	v3 =	vsel vm3, $0x106, v1;
	s6 =	simm.s32 $0x1;
	v2 =	vsel vm3, $0xA80, v0;
	s7 =	ssub.s32 s7, s11;
	s4 =	simm.s32 @p3 $0xCD  }
0x20: {  	v1 =	vsel vm4, $0xB00, v2;
	v2 =	vsel vm4, $0x200, v3;
	v3 =	vimm.s32 $0x1B80;
	p3 =	seq.s32 s20, $0x0;
	s22 =	smul.u32 $0x930000, s7;
	s20 =	simm.s32 $0x3  }
0x21: {  	v5 =	vsel vm1, $0x2880, v5;
	v6 =	vsel vm1, $0x506, v6;
	v3 =	vsel vm14, $0x1000, v3;
	s5 =	simm.s32 @!p3 $0x100;
	s23 =	sshll.u32 s4, $0x8;
	s17 =	sadd.s32 $0x1, s4  }
0x22: {  	v7 =	vsel vm1, $0x3880, v7;
	v8 =	vsel vm1, $0x801, v8;
	v3 =	vsel vm13, $0x1080, v3;
	s5 =	simm.s32 @p0 $0x67;
	s7 =	smin.u32 s23, $0xCC00;
	s8 =	sadd.s32 s24, s22  }
0x23: {  	v4 =	vsel vm15, $0x305, v4;
	v5 =	vsel vm15, $0x2900, v5;
	v3 =	vsel vm12, $0x1100, v3;
	s15 =	sshll.u32 s17, $0x8;
	s5 =	simm.s32 @p2 $0x9A;
	s12 =	sshrl.u32 s7, $0x3  }
0x24: {  	v6 =	vsel vm15, $0x600, v6;
	v7 =	vsel vm15, $0x3900, v7;
	v3 =	vsel vm11, $0x1180, v3;
	s10 =	sor.u32 s23, s8;
	s26 =	sadd.s32 s15, s8;
	s5 =	simm.s32 @p1 $0xCD  }
0x25: {  	v8 =	vsel vm15, $0x802, v8;
	v4 =	vsel vm5, $0x306, v4;
	v3 =	vsel vm10, $0x1200, v3;
	s23 =	simm.s32 $0x0;
	s10 =	sshrl.u32 s10, $0x3;
	s25 =	ssub.s32 s5, s4  }
0x26: {  	v5 =	vsel vm5, $0x2980, v5;
	v6 =	vsel vm5, $0x601, v6;
	v3 =	vsel vm9, $0x1280, v3;
	s9 =	sadd.s32 s9, s12;
	s12 =	sshrl.u32 s26, $0x3;
	s16 =	smul.u32 $0xFFFFAAAB, s25  }
0x27: {  	v7 =	vsel vm5, $0x3980, v7;
	v8 =	vsel vm5, $0x803, v8;
	v3 =	vsel vm8, $0x1300, v3;
	[dreg:$0x3] =	wrdreg s9;
	s10 =	sadd.s32 s3, s10;
	s13 =	smul.u32 $0x5556, s25  }
0x28: {  	v4 =	vsel vm2, $0x400, v4;
	v5 =	vsel vm2, $0x2A00, v5;
	v3 =	vsel vm7, $0x1380, v3;
	s11 =	sadd.s32 s3, s12;
	p1 =	sge.u32 s17, s5;
	s28 =	sadd.s32 $0xFFFF8000, s16  }
0x29: {  	v6 =	vsel vm2, $0x602, v6;
	v7 =	vsel vm2, $0x3A00, v7;
	v3 =	vsel vm6, $0x1800, v3;
	p5 =	slt.s32 s25, $0xFFFFFFFF;
	s13 =	sadd.s32 $0xAAAC, s13;
	s15 =	sand.u32 $0xFFFF, s28  }
0x2a: {  	v8 =	vsel vm2, $0x804, v8;
	v0 =	vimm.f32 $0.0e+00;
	v3 =	vsel vm1, $0x1880, v3;
	s29 =	sshrl.u32 s13, $0x1F;
	s13 =	sshrl.u32 s13, $0x10;
	p6 =	sgt.u32 s15, $0x5554  }
.Ltmp0:
0x2b: {  	v4 =	vsel vm3, $0x401, v4;
	v5 =	vsel vm3, $0x2A80, v5;
	v3 =	vsel vm15, $0x1900, v3;
	s13 =	sadd.s32 s29, s13;
	p0 =	por !p5, !p6;
	(pc) =	sbr.rel .LBB2_1-.Ltmp0, $4  }
0x2c: {  	v6 =	vsel vm3, $0x603, v6;
	v7 =	vsel vm3, $0x3A80, v7;
	v3 =	vsel vm5, $0x1980, v3;
	s30 =	sshll.u32 s13, $0x10;
	s13 =	simm.s32 $0x1;
	p0 =	por !p0, !p0  }
0x2d: {  	v8 =	vsel vm3, $0x805, v8;
	v4 =	vsel vm4, $0x402, v4;
	s17 =	simm.s32 $0x80;
	v3 =	vsel vm2, $0x1A00, v3;
	s31 =	sshra.s32 s30, $0x10;
	s13 =	simm.s32 @!p0 $0x0  }
0x2e: {  	v5 =	vsel vm4, $0x2B00, v5;
	v6 =	vsel vm4, $0x604, v6;
	s16 =	simm.s32 $0x4;
	s15 =	simm.s32 $0x1A800;
	v3 =	vsel vm3, $0x1A80, v3;
	s12 =	ssub.s32 s31, s13  }
0x2f: {  	v7 =	vsel vm4, $0x3B00, v7;
	v8 =	vsel vm4, $0x806, v8;
	v3 =	vsel vm4, $0x1B00, v3;
	p0 =	seq.s32 s18, $0xF;
	s18 =	simm.s32 $0x10000;
	p2 =	slt.s32 s12, $0x1  }
.LBB2_18:
0x30: {  	s1 =	rddreg [dreg:$0x4];
	s9 =	simm.s32 $0x400  }
0x31: {  	[hbm4b:s1+s17] =	stream.strided.scatter [tilespmem:s2], [sflag:$0x4], $0x10000, s9, s17, $0x38;
	[tilespmem:$0x1DC00] =	vst v63  }
0x32: {  	_ =	swait.ge [sflag:s16], $0x10000  }
0x33: {  	[sflag:s16] =	ssyncset.done $0x0  }
0x34: {  	[sflag:s16] =	ssyncadd.s32 $0xFFFF0000  }
.LBB2_19:
0x35: {  	s23 =	sadd.s32 $0x1, s23  }
0x36: {  	p3 =	sne.s32 s23, s14  }
.Ltmp1:
0x37: {  	_ = 	snop;
	(pc) =	sbr.rel @!p3 .LBB2_20-.Ltmp1, $1  }
0x38: {  	_ =	sdelay $0x3  }
.LBB2_1:
0x39: {  	s24 =	simm.s32 $0x40  }
0x3a: {  	[tilespmem:s24+$0xFFFFFFC0] =	vst v0  }
0x3b: {  	[tilespmem:s24+$0x30] =	vst v0  }
0x3c: {  	[tilespmem:s24+$0x20] =	vst v0  }
0x3d: {  	[tilespmem:s24+$0x10] =	vst v0  }
0x3e: {  	[tilespmem:s24+$0x0] =	vst v0  }
0x3f: {  	[tilespmem:s24+$0xFFFFFFF0] =	vst v0  }
0x40: {  	s25 =	simm.s32 $0x0;
	[tilespmem:s24+$0xFFFFFFE0] =	vst v0  }
.LBB2_2:
0x41: {  	s25 =	sadd.s32 $0x80, s25;
	[tilespmem:s24+$0xFFFFFFD0] =	vst v0;
	s24 =	sadd.s32 $0x80, s24  }
0x42: {  	[tilespmem:s24+$0xFFFFFFC0] =	vst v0;
	p3 =	slt.u32 s25, $0xFF80  }
0x43: {  	[tilespmem:s24+$0x30] =	vst v0  }
.Ltmp2:
0x44: {  	[tilespmem:s24+$0x20] =	vst v0;
	(pc) =	sbr.rel @p3 .LBB2_2-.Ltmp2, $4  }
0x45: {  	[tilespmem:s24+$0x10] =	vst v0  }
0x46: {  	[tilespmem:s24+$0x0] =	vst v0  }
0x47: {  	[tilespmem:s24+$0xFFFFFFF0] =	vst v0  }
0x48: {  	[tilespmem:s24+$0xFFFFFFE0] =	vst v0  }
.Ltmp3:
0x49: {  	(pc) =	sbr.rel @p0 .LBB2_19-.Ltmp3, $2  }
0x4a: {  	_ =	sdelay $0x2  }
0x4b: {  	[tilespmem:s24+$0xFFFFFFD0] =	vst v0  }
0x4c: {  	s1 =	rddreg [dreg:$0x3]  }
0x4d: {  	[tilespmem:s15], [sflag:$0x4] =	stream.linear.gather [hbm4b:s1+s2], $0x3400, $0x38;
	[tilespmem:$0x1DC00] =	vst v63  }
0x4e: {  	_ =	swait.ge [sflag:s16], $0x3400  }
0x4f: {  	[sflag:s16] =	ssyncset.done $0x0  }
0x50: {  	s24 =	simm.s32 $0x1A840;
	[sflag:s16] =	ssyncadd.s32 $0xFFFFCC00  }
0x51: {  	v21 =	vld [tilespmem:s24+$0x30]  }
0x52: {  	v14 =	vld [tilespmem:s24+$0xFFFFFFD0];
	_ =	sdelay $0x2  }
0x53: {  	v13 =	vld [tilespmem:s24+$0xFFFFFFE0]  }
0x54: {  	v15 =	vld [tilespmem:s24+$0xFFFFFFF0];
	v10 =	vmul.u32 $0x10625, v21  }
0x55: {  	v12 =	vld [tilespmem:s24+$0x0];
	v11 =	vmul.u32 $0x10625, v14  }
0x56: {  	v9 =	vld [tilespmem:s24+$0x10];
	v10 =	vshrl.u32 v10, $0x18  }
0x57: {  	v11 =	vshrl.u32 v11, $0x18;
	v22 =	vmul.u32 $0x6, v10;
	v10 =	vld [tilespmem:s24+$0x20]  }
0x58: {  	v17 =	vmul.u32 $0x10625, v13;
	v16 =	vmul.u32 $0x6, v11;
	v11 =	vld [tilespmem:s24+$0xFFFFFFC0]  }
0x59: {  	v18 =	vmul.u32 $0x10625, v15  }
0x5a: {  	v20 =	vmul.u32 $0x10625, v12;
	v19 =	vshrl.u32 v17, $0x18  }
0x5b: {  	s25 =	simm.s32 $0x0;
	s26 =	simm.s32 $0x1A8C0;
	v18 =	vshrl.u32 v18, $0x18;
	v17 =	vmul.u32 $0x10625, v9;
	v21 =	vadd.s32 v21, v22  }
.LBB2_5:
0x5c: {  	v22 =	vld [tilespmem:s26+$0x30];
	s25 =	sadd.s32 $0x80, s25;
	v19 =	vmul.u32 $0x6, v19;
	v20 =	vshrl.u32 v20, $0x18;
	v23 =	vmul.u32 $0x10625, v10;
	[tilespmem:s24+$0x30] =	vst v21  }
0x5d: {  	v18 =	vmul.u32 $0x6, v18;
	v21 =	vld [tilespmem:s26+$0xFFFFFFD0];
	p3 =	slt.u32 s25, $0x3380;
	v24 =	vmul.u32 $0x10625, v11;
	v17 =	vshrl.u32 v17, $0x18  }
0x5e: {  	v20 =	vmul.u32 $0x6, v20;
	v25 =	vld [tilespmem:s26+$0xFFFFFFE0];
	v17 =	vmul.u32 $0x6, v17;
	v23 =	vshrl.u32 v23, $0x18  }
0x5f: {  	v14 =	vadd.s32 v14, v16;
	v26 =	vld [tilespmem:s26+$0xFFFFFFF0];
	v24 =	vshrl.u32 v24, $0x18;
	v16 =	vmul.u32 $0x6, v23  }
0x60: {  	v13 =	vadd.s32 v13, v19;
	v19 =	vadd.s32 v15, v18;
	v23 =	vld [tilespmem:s26+$0x0];
	v24 =	vmul.u32 $0x6, v24;
	[tilespmem:s24+$0xFFFFFFD0] =	vst v14  }
0x61: {  	v12 =	vadd.s32 v12, v20;
	v17 =	vadd.s32 v9, v17;
	v28 =	vmul.u32 $0x10625, v22;
	[tilespmem:s24+$0xFFFFFFE0] =	vst v13;
	v9 =	vld [tilespmem:s26+$0x10]  }
.Ltmp4:
0x62: {  	v18 =	vmul.u32 $0x10625, v21;
	v20 =	vadd.s32 v11, v24;
	[tilespmem:s24+$0xFFFFFFF0] =	vst v19;
	v24 =	vadd.s32 v10, v16;
	v10 =	vld [tilespmem:s26+$0x20];
	v14 =	vmovc v21;
	(pc) =	sbr.rel @p3 .LBB2_5-.Ltmp4, $4  }
0x63: {  	v11 =	vld [tilespmem:s26+$0xFFFFFFC0];
	v19 =	vmul.u32 $0x10625, v25;
	v27 =	vshrl.u32 v28, $0x18;
	[tilespmem:s24+$0xFFFFFFC0] =	vst v20;
	v13 =	vmov v25  }
0x64: {  	v16 =	vshrl.u32 v18, $0x18;
	v18 =	vmul.u32 $0x10625, v26;
	v21 =	vmul.u32 $0x6, v27;
	[tilespmem:s24+$0x0] =	vst v12;
	v15 =	vmovc v26  }
0x65: {  	v16 =	vmul.u32 $0x6, v16;
	v19 =	vshrl.u32 v19, $0x18;
	v20 =	vmul.u32 $0x10625, v23;
	[tilespmem:s24+$0x10] =	vst v17;
	v12 =	vmovc v23  }
0x66: {  	v18 =	vshrl.u32 v18, $0x18;
	v17 =	vmul.u32 $0x10625, v9;
	v21 =	vadd.s32 v22, v21;
	[tilespmem:s24+$0x20] =	vst v24;
	s24 =	smov.u32 s26;
	s26 =	sadd.s32 $0x80, s26  }
0x67: {  	v19 =	vmul.u32 $0x6, v19;
	v20 =	vshrl.u32 v20, $0x18;
	v18 =	vmul.u32 $0x6, v18  }
0x68: {  	[tilespmem:s24+$0x30] =	vst v21;
	v14 =	vadd.s32 v14, v16;
	v59 =	vmul.u32 $0x10625, v10;
	v22 =	vmul.u32 $0x10625, v11  }
0x69: {  	[tilespmem:s24+$0xFFFFFFD0] =	vst v14;
	v60 =	vshrl.u32 v17, $0x18;
	v61 =	vmul.u32 $0x6, v20;
	v13 =	vadd.s32 v13, v19  }
0x6a: {  	v15 =	vadd.s32 v15, v18;
	v62 =	vmul.u32 $0x6, v60;
	v63 =	vshrl.u32 v59, $0x18;
	[tilespmem:s24+$0xFFFFFFE0] =	vst v13  }
0x6b: {  	v58 =	vshrl.u32 v22, $0x18;
	[tilespmem:s24+$0xFFFFFFF0] =	vst v15;
	v14 =	vmul.u32 $0x6, v63;
	v12 =	vadd.s32 v12, v61  }
0x6c: {  	v21 =	vmul.u32 $0x6, v58;
	v9 =	vadd.s32 v9, v62;
	[tilespmem:s24+$0x0] =	vst v12  }
0x6d: {  	v10 =	vadd.s32 v10, v14;
	[tilespmem:s24+$0x10] =	vst v9  }
0x6e: {  	v11 =	vadd.s32 v11, v21;
	[tilespmem:s24+$0x20] =	vst v10  }
0x6f: {  	[tilespmem:s24+$0xFFFFFFC0] =	vst v11  }
0x70: {  	[tilespmem:s18], [sflag:$0x1] =	stream.strided.gather [hbm4b:s10+s17], $0x400, s18, s17, $0x38;
	[tilespmem:$0x1DC00] =	vst v63  }
0x71: {  	s31 =	sadd.s32 $0x10, s10;
	s1 =	simm.s32 $0x10400  }
0x72: {  	[tilespmem:s1], [sflag:$0x1] =	stream.strided.gather [hbm4b:s31+s17], $0x400, s18, s17, $0x38;
	[tilespmem:$0x1DC00] =	vst v63  }
0x73: {  	s9 =	sadd.s32 $0x10000, s10;
	s13 =	simm.s32 $0x10800  }
0x74: {  	[tilespmem:s13], [sflag:$0x1] =	stream.strided.gather [hbm4b:s9+s17], $0x400, s18, s17, $0x38;
	[tilespmem:$0x1DC00] =	vst v63  }
0x75: {  	s22 =	simm.s32 $0x10C00;
	s24 =	sadd.s32 $0x10, s9  }
0x76: {  	[tilespmem:s22], [sflag:$0x1] =	stream.strided.gather [hbm4b:s24+s17], $0x400, s18, s17, $0x38;
	[tilespmem:$0x1DC00] =	vst v63  }
0x77: {  	s25 =	sadd.s32 $0x20000, s10;
	s26 =	simm.s32 $0x11000  }
0x78: {  	[tilespmem:s26], [sflag:$0x1] =	stream.strided.gather [hbm4b:s25+s17], $0x400, s18, s17, $0x38;
	[tilespmem:$0x1DC00] =	vst v63  }
0x79: {  	s28 =	simm.s32 $0x11400;
	s24 =	sadd.s32 $0x10, s25  }
0x7a: {  	[tilespmem:s28], [sflag:$0x1] =	stream.strided.gather [hbm4b:s24+s17], $0x400, s18, s17, $0x38;
	[tilespmem:$0x1DC00] =	vst v63  }
0x7b: {  	s29 =	sadd.s32 $0x30000, s10;
	s30 =	simm.s32 $0x11800  }
0x7c: {  	[tilespmem:s30], [sflag:$0x1] =	stream.strided.gather [hbm4b:s29+s17], $0x400, s18, s17, $0x38;
	[tilespmem:$0x1DC00] =	vst v63  }
0x7d: {  	s31 =	simm.s32 $0x11C00;
	s24 =	sadd.s32 $0x10, s29  }
0x7e: {  	[tilespmem:s31], [sflag:$0x1] =	stream.strided.gather [hbm4b:s24+s17], $0x400, s18, s17, $0x38;
	[tilespmem:$0x1DC00] =	vst v63  }
0x7f: {  	s9 =	sadd.s32 $0x40000, s10;
	s13 =	simm.s32 $0x12000  }
0x80: {  	[tilespmem:s13], [sflag:$0x1] =	stream.strided.gather [hbm4b:s9+s17], $0x400, s18, s17, $0x38;
	[tilespmem:$0x1DC00] =	vst v63  }
0x81: {  	s22 =	simm.s32 $0x12400;
	s24 =	sadd.s32 $0x10, s9  }
0x82: {  	[tilespmem:s22], [sflag:$0x1] =	stream.strided.gather [hbm4b:s24+s17], $0x400, s18, s17, $0x38;
	[tilespmem:$0x1DC00] =	vst v63  }
0x83: {  	s25 =	sadd.s32 $0x50000, s10;
	s26 =	simm.s32 $0x12800  }
0x84: {  	[tilespmem:s26], [sflag:$0x1] =	stream.strided.gather [hbm4b:s25+s17], $0x400, s18, s17, $0x38;
	[tilespmem:$0x1DC00] =	vst v63  }
0x85: {  	s28 =	simm.s32 $0x12C00;
	s24 =	sadd.s32 $0x10, s25  }
0x86: {  	[tilespmem:s28], [sflag:$0x1] =	stream.strided.gather [hbm4b:s24+s17], $0x400, s18, s17, $0x38;
	[tilespmem:$0x1DC00] =	vst v63  }
0x87: {  	s29 =	sadd.s32 $0x60000, s10;
	s30 =	simm.s32 $0x13000  }
0x88: {  	[tilespmem:s30], [sflag:$0x1] =	stream.linear.gather [hbm4b:s29+s2], $0x80, $0x38;
	[tilespmem:$0x1DC00] =	vst v63  }
0x89: {  	s31 =	simm.s32 $0x13400;
	s24 =	sadd.s32 $0x10, s29  }
0x8a: {  	[tilespmem:s31], [sflag:$0x1] =	stream.linear.gather [hbm4b:s24+s2], $0x80, $0x38;
	[tilespmem:$0x1DC00] =	vst v63  }
0x8b: {  	s25 =	simm.s32 @!p1 $0x10000;
	s26 =	simm.s32 @!p1 $0x13800;
	s24 =	simm.s32 @!p1 $0x80  }
0x8c: {  	[tilespmem:s26], [sflag:$0x2] =	stream.strided.gather @!p1 [hbm4b:s11+s24], $0x400, s25, s24, $0x38;
	[tilespmem:$0x1DC00] =	vst v63  }
0x8d: {  	s28 =	simm.s32 @!p1 $0x13C00;
	s26 =	sadd.s32 @!p1 $0x10, s11  }
0x8e: {  	[tilespmem:s28], [sflag:$0x2] =	stream.strided.gather @!p1 [hbm4b:s26+s24], $0x400, s25, s24, $0x38;
	[tilespmem:$0x1DC00] =	vst v63  }
0x8f: {  	s26 =	sadd.s32 @!p1 $0x10000, s11;
	s28 =	simm.s32 @!p1 $0x14000  }
0x90: {  	[tilespmem:s28], [sflag:$0x2] =	stream.strided.gather @!p1 [hbm4b:s26+s24], $0x400, s25, s24, $0x38;
	[tilespmem:$0x1DC00] =	vst v63  }
0x91: {  	s26 =	sadd.s32 @!p1 $0x10, s26;
	s28 =	simm.s32 @!p1 $0x14400  }
0x92: {  	[tilespmem:s28], [sflag:$0x2] =	stream.strided.gather @!p1 [hbm4b:s26+s24], $0x400, s25, s24, $0x38;
	[tilespmem:$0x1DC00] =	vst v63  }
0x93: {  	s26 =	sadd.s32 @!p1 $0x20000, s11;
	s28 =	simm.s32 @!p1 $0x14800  }
0x94: {  	[tilespmem:s28], [sflag:$0x2] =	stream.strided.gather @!p1 [hbm4b:s26+s24], $0x400, s25, s24, $0x38;
	[tilespmem:$0x1DC00] =	vst v63  }
0x95: {  	s26 =	sadd.s32 @!p1 $0x10, s26;
	s28 =	simm.s32 @!p1 $0x14C00  }
0x96: {  	[tilespmem:s28], [sflag:$0x2] =	stream.strided.gather @!p1 [hbm4b:s26+s24], $0x400, s25, s24, $0x38;
	[tilespmem:$0x1DC00] =	vst v63  }
0x97: {  	s26 =	sadd.s32 @!p1 $0x30000, s11;
	s28 =	simm.s32 @!p1 $0x15000  }
0x98: {  	[tilespmem:s28], [sflag:$0x2] =	stream.strided.gather @!p1 [hbm4b:s26+s24], $0x400, s25, s24, $0x38;
	[tilespmem:$0x1DC00] =	vst v63  }
0x99: {  	s26 =	sadd.s32 @!p1 $0x10, s26;
	s28 =	simm.s32 @!p1 $0x15400  }
0x9a: {  	[tilespmem:s28], [sflag:$0x2] =	stream.strided.gather @!p1 [hbm4b:s26+s24], $0x400, s25, s24, $0x38;
	[tilespmem:$0x1DC00] =	vst v63  }
0x9b: {  	s26 =	sadd.s32 @!p1 $0x40000, s11;
	s28 =	simm.s32 @!p1 $0x15800  }
0x9c: {  	[tilespmem:s28], [sflag:$0x2] =	stream.strided.gather @!p1 [hbm4b:s26+s24], $0x400, s25, s24, $0x38;
	[tilespmem:$0x1DC00] =	vst v63  }
0x9d: {  	s26 =	sadd.s32 @!p1 $0x10, s26;
	s28 =	simm.s32 @!p1 $0x15C00  }
0x9e: {  	[tilespmem:s28], [sflag:$0x2] =	stream.strided.gather @!p1 [hbm4b:s26+s24], $0x400, s25, s24, $0x38;
	[tilespmem:$0x1DC00] =	vst v63  }
0x9f: {  	s26 =	sadd.s32 @!p1 $0x50000, s11;
	s28 =	simm.s32 @!p1 $0x16000  }
0xa0: {  	[tilespmem:s28], [sflag:$0x2] =	stream.strided.gather @!p1 [hbm4b:s26+s24], $0x400, s25, s24, $0x38;
	[tilespmem:$0x1DC00] =	vst v63  }
0xa1: {  	s26 =	sadd.s32 @!p1 $0x10, s26;
	s28 =	simm.s32 @!p1 $0x16400  }
0xa2: {  	[tilespmem:s28], [sflag:$0x2] =	stream.strided.gather @!p1 [hbm4b:s26+s24], $0x400, s25, s24, $0x38;
	[tilespmem:$0x1DC00] =	vst v63  }
0xa3: {  	s24 =	sadd.s32 @!p1 $0x60000, s11;
	s25 =	simm.s32 @!p1 $0x0;
	s26 =	simm.s32 @!p1 $0x16800  }
0xa4: {  	[tilespmem:s26], [sflag:$0x2] =	stream.linear.gather @!p1 [hbm4b:s24+s25], $0x80, $0x38;
	[tilespmem:$0x1DC00] =	vst v63  }
.Ltmp5:
0xa5: {  	_ = 	snop;
	(pc) =	sbr.rel @!p2 .LBB2_7-.Ltmp5, $4  }
.Ltmp6:
0xa6: {  	_ = 	snop;
	(pc) =	sbr.rel @p2 .LBB2_18-.Ltmp6, $4  }
0xa7: {  	s24 =	sadd.s32 @!p1 $0x10, s24;
	s26 =	simm.s32 @!p1 $0x16C00  }
0xa8: {  	[tilespmem:s26], [sflag:$0x2] =	stream.linear.gather @!p1 [hbm4b:s24+s25], $0x80, $0x38;
	[tilespmem:$0x1DC00] =	vst v63  }
0xa9: {  	s24 =	simm.s32 $0x0;
	s25 =	simm.s32 $0x0  }
0xaa: {  	_ = 	snop  }
.LBB2_17:
0xab: {  	s25 =	sadd.s32 $0x1, s25  }
0xac: {  	p3 =	sne.s32 s25, s12  }
.Ltmp7:
0xad: {  	_ = 	snop;
	(pc) =	sbr.rel @!p3 .LBB2_18-.Ltmp7, $1  }
0xae: {  	_ =	sdelay $0x3  }
.LBB2_7:
0xaf: {  	s26 =	smul.u32 $0x3, s25;
	_ =	sdelay $0x1  }
0xb0: {  	s28 =	sadd.s32 s4, s26  }
0xb1: {  	s26 =	sadd.s32 $0x2, s28  }
0xb2: {  	p3 =	sge.s32 s26, s5  }
0xb3: {  	_ =	swait.ge [sflag:s6], $0x3100;
	s29 =	sshll.u32 @!p3 s26, $0x8  }
0xb4: {  	[sflag:s6] =	ssyncset.done $0x0;
	s29 =	sadd.s32 @!p3 s8, s29  }
0xb5: {  	[sflag:s6] =	ssyncadd.s32 $0xFFFFCF00;
	s30 =	simm.s32 @!p3 $0x80;
	s29 =	sshrl.u32 @!p3 s29, $0x3  }
0xb6: {  	s31 =	simm.s32 @!p3 $0x10000;
	s1 =	simm.s32 @!p3 $0x17000;
	s29 =	sadd.s32 @!p3 s3, s29  }
0xb7: {  	[tilespmem:s1], [sflag:$0x3] =	stream.strided.gather @!p3 [hbm4b:s29+s30], $0x400, s31, s30, $0x38;
	[tilespmem:$0x1DC00] =	vst v63  }
0xb8: {  	s22 =	simm.s32 @!p3 $0x17400;
	s1 =	sadd.s32 @!p3 $0x10, s29  }
0xb9: {  	[tilespmem:s22], [sflag:$0x3] =	stream.strided.gather @!p3 [hbm4b:s1+s30], $0x400, s31, s30, $0x38;
	[tilespmem:$0x1DC00] =	vst v63  }
0xba: {  	s1 =	sadd.s32 @!p3 $0x10000, s29;
	s22 =	simm.s32 @!p3 $0x17800  }
0xbb: {  	[tilespmem:s22], [sflag:$0x3] =	stream.strided.gather @!p3 [hbm4b:s1+s30], $0x400, s31, s30, $0x38;
	[tilespmem:$0x1DC00] =	vst v63  }
0xbc: {  	s1 =	sadd.s32 @!p3 $0x10, s1;
	s22 =	simm.s32 @!p3 $0x17C00  }
0xbd: {  	[tilespmem:s22], [sflag:$0x3] =	stream.strided.gather @!p3 [hbm4b:s1+s30], $0x400, s31, s30, $0x38;
	[tilespmem:$0x1DC00] =	vst v63  }
0xbe: {  	s1 =	sadd.s32 @!p3 $0x20000, s29;
	s22 =	simm.s32 @!p3 $0x18000  }
0xbf: {  	[tilespmem:s22], [sflag:$0x3] =	stream.strided.gather @!p3 [hbm4b:s1+s30], $0x400, s31, s30, $0x38;
	[tilespmem:$0x1DC00] =	vst v63  }
0xc0: {  	s1 =	sadd.s32 @!p3 $0x10, s1;
	s22 =	simm.s32 @!p3 $0x18400  }
0xc1: {  	[tilespmem:s22], [sflag:$0x3] =	stream.strided.gather @!p3 [hbm4b:s1+s30], $0x400, s31, s30, $0x38;
	[tilespmem:$0x1DC00] =	vst v63  }
0xc2: {  	s1 =	sadd.s32 @!p3 $0x30000, s29;
	s22 =	simm.s32 @!p3 $0x18800  }
0xc3: {  	[tilespmem:s22], [sflag:$0x3] =	stream.strided.gather @!p3 [hbm4b:s1+s30], $0x400, s31, s30, $0x38;
	[tilespmem:$0x1DC00] =	vst v63  }
0xc4: {  	s1 =	sadd.s32 @!p3 $0x10, s1;
	s22 =	simm.s32 @!p3 $0x18C00  }
0xc5: {  	[tilespmem:s22], [sflag:$0x3] =	stream.strided.gather @!p3 [hbm4b:s1+s30], $0x400, s31, s30, $0x38;
	[tilespmem:$0x1DC00] =	vst v63  }
0xc6: {  	s1 =	sadd.s32 @!p3 $0x40000, s29;
	s22 =	simm.s32 @!p3 $0x19000  }
0xc7: {  	[tilespmem:s22], [sflag:$0x3] =	stream.strided.gather @!p3 [hbm4b:s1+s30], $0x400, s31, s30, $0x38;
	[tilespmem:$0x1DC00] =	vst v63  }
0xc8: {  	s1 =	sadd.s32 @!p3 $0x10, s1;
	s22 =	simm.s32 @!p3 $0x19400  }
0xc9: {  	[tilespmem:s22], [sflag:$0x3] =	stream.strided.gather @!p3 [hbm4b:s1+s30], $0x400, s31, s30, $0x38;
	[tilespmem:$0x1DC00] =	vst v63  }
0xca: {  	s13 =	sshll.u32 s28, $0x8;
	s1 =	sadd.s32 @!p3 $0x50000, s29;
	s22 =	simm.s32 @!p3 $0x19800  }
0xcb: {  	[tilespmem:s22], [sflag:$0x3] =	stream.strided.gather @!p3 [hbm4b:s1+s30], $0x400, s31, s30, $0x38;
	[tilespmem:$0x1DC00] =	vst v63  }
0xcc: {  	v10 =	vmov s24;
	s9 =	simm.s32 @!p3 $0x19C00;
	s1 =	sadd.s32 @!p3 $0x10, s1;
	s22 =	simm.s32 $0x5  }
0xcd: {  	v12 =	vand.u32 $0x78, v10;
	v10 =	vshll.u32 v10, $0x3;
	[tilespmem:s9], [sflag:$0x3] =	stream.strided.gather @!p3 [hbm4b:s1+s30], $0x400, s31, s30, $0x38;
	[tilespmem:$0x1DC00] =	vst v63  }
0xce: {  	v10 =	vand.u32 $0x400, v10;
	v22 =	vmov s22;
	s9 =	ssub.s32 s13, s7  }
0xcf: {  	v24 =	vshll.u32 v22, $0x3;
	v22 =	vand.u32 $0x7D, v22;
	v9 =	vmov s9;
	s9 =	simm.s32 $0x6  }
0xd0: {  	s1 =	simm.s32 $0x1;
	s13 =	simm.s32 $0x2;
	v24 =	vand.u32 $0x400, v24;
	v11 =	vor.u32 s24, v9;
	v13 =	vmov s9  }
0xd1: {  	s29 =	sadd.s32 @!p3 $0x60000, s29;
	s30 =	simm.s32 @!p3 $0x0;
	s31 =	simm.s32 @!p3 $0x1A000;
	v16 =	vor.u32 s1, v9;
	v14 =	vor.u32 s13, v9;
	v15 =	vshll.u32 v13, $0x3  }
0xd2: {  	[tilespmem:s31], [sflag:$0x3] =	stream.linear.gather @!p3 [hbm4b:s29+s30], $0x80, $0x38;
	v18 =	vor.u32 s22, v9;
	v17 =	vand.u32 $0x7E, v13;
	v15 =	vand.u32 $0x400, v15;
	[tilespmem:$0x1DC00] =	vst v63  }
0xd3: {  	s31 =	simm.s32 $0x3;
	v13 =	vor.u32 v12, v10;
	v12 =	vor.u32 v17, v15;
	v17 =	vmov s1;
	s1 =	sadd.s32 @!p3 $0x10, s29;
	s29 =	simm.s32 @!p3 $0x1A400  }
0xd4: {  	v22 =	vor.u32 v22, v24;
	v24 =	vor.u32 s9, v9;
	v10 =	vmov s13;
	[tilespmem:s29], [sflag:$0x3] =	stream.linear.gather @!p3 [hbm4b:s1+s30], $0x80, $0x38;
	[tilespmem:$0x1DC00] =	vst v63  }
0xd5: {  	v26 =	vor.u32 s31, v9;
	v20 =	vand.u32 $0x7A, v10;
	v10 =	vshll.u32 v10, $0x3;
	v15 =	vld.idx.msk [tilespmem:v11+s15+$0x0], $0xffff  }
0xd6: {  	v10 =	vand.u32 $0x400, v10;
	v11 =	vor.u32 v1, v13;
	v14 =	vld.idx.msk [tilespmem:v14+s15+$0x0], $0xffff  }
0xd7: {  	v19 =	vor.u32 v1, v12;
	v20 =	vor.u32 v20, v10;
	v10 =	vshll.u32 v17, $0x3;
	v18 =	vld.idx.msk [tilespmem:v18+s15+$0x0], $0xffff  }
0xd8: {  	s30 =	simm.s32 $0x7;
	v17 =	vand.u32 $0x79, v17;
	v30 =	vld.idx.msk [tilespmem:v16+s15+$0x0], $0xffff;
	v16 =	vor.u32 v1, v20;
	v32 =	vand.u32 $0x400, v10  }
0xd9: {  	v21 =	vmov s31;
	v28 =	vor.u32 s30, v9;
	v54 =	vld.idx.msk [tilespmem:v24+s15+$0x0], $0xffff;
	v17 =	vor.u32 v17, v32  }
0xda: {  	s13 =	simm.s32 $0x4;
	v27 =	vshll.u32 v21, $0x3;
	v10 =	vld.idx.msk [tilespmem:v26+s15+$0x0], $0xffff;
	v24 =	vor.u32 v1, v17  }
0xdb: {  	v31 =	vld.idx.msk [tilespmem:v11+s18+$0x0], $0xffff;
	v11 =	vand.u32 $0x400, v27;
	v27 =	vor.u32 s13, v9  }
0xdc: {  	v29 =	vor.u32 v1, v22;
	v23 =	vmov s13;
	v19 =	vld.idx.msk [tilespmem:v19+s18+$0x0], $0xffff  }
0xdd: {  	v21 =	vand.u32 $0x7B, v21;
	v25 =	vshll.u32 v23, $0x3;
	v16 =	vld.idx.msk [tilespmem:v16+s18+$0x0], $0xffff;
	v37 =	vadd.s32 v2, v14  }
0xde: {  	v25 =	vand.u32 $0x400, v25;
	v33 =	vor.u32 v21, v11;
	v11 =	vld.idx.msk [tilespmem:v28+s15+$0x0], $0xffff;
	v28 =	vadd.s32 v2, v15  }
0xdf: {  	v26 =	vmov s30;
	v21 =	vand.u32 $0x7C, v23;
	v23 =	vor.u32 v1, v33;
	v24 =	vld.idx.msk [tilespmem:v24+s18+$0x0], $0xffff  }
0xe0: {  	v34 =	vor.u32 v3, v13;
	v21 =	vor.u32 v21, v25;
	v25 =	vshll.u32 v26, $0x3;
	v35 =	vld.idx.msk [tilespmem:v27+s15+$0x0], $0xffff  }
0xe1: {  	v55 =	vadd.s32 v2, v30;
	v26 =	vand.u32 $0x7F, v26;
	v25 =	vand.u32 $0x400, v25;
	v27 =	vld.idx.msk [tilespmem:v29+s18+$0x0], $0xffff  }
0xe2: {  	v25 =	vor.u32 v26, v25;
	v26 =	vor.u32 v1, v21;
	[tilespmem:v37+s2+$0x0] =	vst.idx.add.f32.msk $0xffff, v16  }
0xe3: {  	v29 =	vor.u32 v1, v25;
	[tilespmem:v28+s2+$0x0] =	vst.idx.add.f32.msk $0xffff, v31  }
0xe4: {  	v38 =	vadd.s32 v2, v18;
	v23 =	vld.idx.msk [tilespmem:v23+s18+$0x0], $0xffff  }
0xe5: {  	v28 =	vadd.s32 v2, v54;
	v31 =	vld.idx.msk [tilespmem:v34+s18+$0x0], $0xffff  }
0xe6: {  	v39 =	vor.u32 v3, v22;
	[tilespmem:v55+s2+$0x0] =	vst.idx.add.f32.msk $0xffff, v24  }
0xe7: {  	v36 =	vadd.s32 v2, v10;
	v26 =	vld.idx.msk [tilespmem:v26+s18+$0x0], $0xffff  }
0xe8: {  	v57 =	vor.u32 v3, v12;
	v29 =	vld.idx.msk [tilespmem:v29+s18+$0x0], $0xffff  }
0xe9: {  	v59 =	vadd.s32 v4, v15;
	[tilespmem:v38+s2+$0x0] =	vst.idx.add.f32.msk $0xffff, v27  }
0xea: {  	v16 =	vadd.s32 v2, v11;
	[tilespmem:v28+s2+$0x0] =	vst.idx.add.f32.msk $0xffff, v19  }
0xeb: {  	v56 =	vor.u32 v3, v17;
	v28 =	vld.idx.msk [tilespmem:v39+s18+$0x0], $0xffff  }
0xec: {  	v19 =	vadd.s32 v2, v35;
	[tilespmem:v36+s2+$0x0] =	vst.idx.add.f32.msk $0xffff, v23  }
0xed: {  	v23 =	vor.u32 v3, v33;
	v36 =	vld.idx.msk [tilespmem:v57+s18+$0x0], $0xffff  }
0xee: {  	v27 =	vor.u32 v3, v25;
	[tilespmem:v59+s2+$0x0] =	vst.idx.add.f32.msk $0xffff, v31  }
0xef: {  	v24 =	vor.u32 v3, v21;
	[tilespmem:v16+s2+$0x0] =	vst.idx.add.f32.msk $0xffff, v29  }
0xf0: {  	v16 =	vor.u32 v3, v20;
	v29 =	vld.idx.msk [tilespmem:v56+s18+$0x0], $0xffff  }
0xf1: {  	[tilespmem:v19+s2+$0x0] =	vst.idx.add.f32.msk $0xffff, v26;
	v26 =	vadd.s32 v4, v18  }
0xf2: {  	v19 =	vadd.s32 v4, v10;
	v23 =	vld.idx.msk [tilespmem:v23+s18+$0x0], $0xffff  }
0xf3: {  	v60 =	vor.u32 v5, v13;
	v27 =	vld.idx.msk [tilespmem:v27+s18+$0x0], $0xffff  }
0xf4: {  	v58 =	vor.u32 v5, v33;
	v24 =	vld.idx.msk [tilespmem:v24+s18+$0x0], $0xffff  }
0xf5: {  	v61 =	vadd.s32 v4, v14;
	v16 =	vld.idx.msk [tilespmem:v16+s18+$0x0], $0xffff  }
0xf6: {  	[tilespmem:v26+s2+$0x0] =	vst.idx.add.f32.msk $0xffff, v28;
	v26 =	vadd.s32 v4, v35  }
0xf7: {  	[tilespmem:v19+s2+$0x0] =	vst.idx.add.f32.msk $0xffff, v23;
	v23 =	vadd.s32 v4, v30  }
0xf8: {  	v62 =	vadd.s32 v6, v15;
	v28 =	vld.idx.msk [tilespmem:v60+s18+$0x0], $0xffff  }
0xf9: {  	v31 =	vor.u32 v5, v21;
	v34 =	vld.idx.msk [tilespmem:v58+s18+$0x0], $0xffff  }
0xfa: {  	v19 =	vor.u32 v5, v20;
	[tilespmem:v61+s2+$0x0] =	vst.idx.add.f32.msk $0xffff, v16  }
0xfb: {  	v16 =	vor.u32 v5, v22;
	[tilespmem:v26+s2+$0x0] =	vst.idx.add.f32.msk $0xffff, v24  }
0xfc: {  	[tilespmem:v23+s2+$0x0] =	vst.idx.add.f32.msk $0xffff, v29;
	v23 =	vadd.s32 v4, v11  }
0xfd: {  	[tilespmem:v62+s2+$0x0] =	vst.idx.add.f32.msk $0xffff, v28;
	v29 =	vadd.s32 v4, v54  }
0xfe: {  	v26 =	vld.idx.msk [tilespmem:v31+s18+$0x0], $0xffff;
	v31 =	vadd.s32 v6, v35  }
0xff: {  	v24 =	vor.u32 v5, v25;
	v19 =	vld.idx.msk [tilespmem:v19+s18+$0x0], $0xffff  }
0x100: {  	v63 =	vadd.s32 v6, v14;
	v16 =	vld.idx.msk [tilespmem:v16+s18+$0x0], $0xffff  }
0x101: {  	v13 =	vor.u32 v7, v13;
	[tilespmem:v23+s2+$0x0] =	vst.idx.add.f32.msk $0xffff, v27  }
0x102: {  	v28 =	vadd.s32 v6, v18;
	[tilespmem:v29+s2+$0x0] =	vst.idx.add.f32.msk $0xffff, v36  }
0x103: {  	v23 =	vor.u32 v5, v17;
	[tilespmem:v31+s2+$0x0] =	vst.idx.add.f32.msk $0xffff, v26  }
0x104: {  	v27 =	vadd.s32 v6, v11;
	v24 =	vld.idx.msk [tilespmem:v24+s18+$0x0], $0xffff  }
0x105: {  	v21 =	vor.u32 v7, v21;
	[tilespmem:v63+s2+$0x0] =	vst.idx.add.f32.msk $0xffff, v19  }
0x106: {  	v26 =	vld.idx.msk [tilespmem:v13+s18+$0x0], $0x1;
	v31 =	vadd.s32 v6, v10  }
0x107: {  	[tilespmem:v28+s2+$0x0] =	vst.idx.add.f32.msk $0xffff, v16;
	v16 =	vor.u32 v5, v12  }
0x108: {  	v19 =	vld.idx.msk [tilespmem:v23+s18+$0x0], $0xffff;
	v23 =	vor.u32 v7, v20  }
0x109: {  	v29 =	vadd.s32 v6, v30;
	[tilespmem:v27+s2+$0x0] =	vst.idx.add.f32.msk $0xffff, v24  }
0x10a: {  	v27 =	vld.idx.msk [tilespmem:v21+s18+$0x0], $0x1;
	v21 =	vor.u32 v7, v25  }
0x10b: {  	[tilespmem:v31+s2+$0x0] =	vst.idx.add.f32.msk $0xffff, v34  }
0x10c: {  	v15 =	vadd.s32 v8, v15;
	v13 =	vadd.s32 v8, v14;
	v28 =	vadd.s32 v8, v35;
	v20 =	vld.idx.msk [tilespmem:v16+s18+$0x0], $0xffff  }
0x10d: {  	v14 =	vadd.s32 v6, v54;
	v12 =	vor.u32 v7, v12;
	v25 =	vadd.s32 v8, v18;
	v16 =	vld.idx.msk [tilespmem:v23+s18+$0x0], $0x1  }
0x10e: {  	v18 =	vor.u32 v7, v17;
	v17 =	vor.u32 v7, v22;
	[tilespmem:v29+s2+$0x0] =	vst.idx.add.f32.msk $0xffff, v19  }
0x10f: {  	s31 =	simm.s32 $0x8;
	v24 =	vadd.s32 v8, v30;
	v22 =	vadd.s32 v8, v54;
	v19 =	vor.u32 v7, v33;
	v21 =	vld.idx.msk [tilespmem:v21+s18+$0x0], $0x1  }
.LBB2_8:
0x110: {  	s1 =	sadd.s32 $0x1, s31  }
0x111: {  	v23 =	vmov s31;
	v29 =	vor.u32 s31, v9;
	s30 =	sadd.s32 $0x6, s31;
	[tilespmem:v28+s2+$0x0] =	vst.idx.add.f32.msk $0x1, v27;
	v11 =	vadd.s32 v8, v11;
	s9 =	smov.u32 s31;
	s29 =	sadd.s32 $0x8, s31  }
0x112: {  	p4 =	slt.u32 s31, $0xF8;
	v27 =	vand.u32 $0x78, v23;
	v28 =	vor.u32 s1, v9;
	s13 =	sadd.s32 $0x2, s9;
	v30 =	vmov s30;
	[tilespmem:v15+s2+$0x0] =	vst.idx.add.f32.msk $0x1, v26  }
0x113: {  	v15 =	vshll.u32 v23, $0x3;
	s22 =	sadd.s32 $0x3, s9;
	v23 =	vor.u32 s13, v9;
	v26 =	vshll.u32 v30, $0x3;
	v31 =	vld.idx.msk [tilespmem:v18+s18+$0x0], $0x1  }
0x114: {  	s31 =	sadd.s32 $0x4, s9;
	v15 =	vand.u32 $0x400, v15;
	v18 =	vand.u32 $0x7E, v30;
	v26 =	vand.u32 $0x400, v26;
	[tilespmem:v14+s2+$0x0] =	vst.idx.add.f32.msk $0xffff, v20  }
0x115: {  	v15 =	vor.u32 v27, v15;
	v20 =	vmov s13;
	s13 =	sadd.s32 $0x5, s9;
	v14 =	vor.u32 v18, v26;
	v27 =	vld.idx.msk [tilespmem:v19+s18+$0x0], $0x1  }
0x116: {  	v26 =	vmov s1;
	v18 =	vor.u32 s13, v9;
	v19 =	vor.u32 v1, v14;
	v12 =	vld.idx.msk [tilespmem:v12+s18+$0x0], $0x1  }
0x117: {  	v32 =	vmov s22;
	v30 =	vand.u32 $0x7A, v20;
	v33 =	vmov s13;
	[tilespmem:v13+s2+$0x0] =	vst.idx.add.f32.msk $0x1, v16  }
0x118: {  	v34 =	vmov s31;
	v20 =	vshll.u32 v20, $0x3;
	s1 =	sadd.s32 $0x7, s9;
	v13 =	vshll.u32 v33, $0x3;
	v35 =	vld.idx.msk [tilespmem:v17+s18+$0x0], $0x1  }
0x119: {  	v17 =	vand.u32 $0x7D, v33;
	v33 =	vand.u32 $0x400, v13;
	v16 =	vld.idx.msk [tilespmem:v29+s15+$0x0], $0xffff;
	v29 =	vshll.u32 v34, $0x3  }
0x11a: {  	v34 =	vand.u32 $0x7C, v34;
	v17 =	vor.u32 v17, v33;
	v13 =	vld.idx.msk [tilespmem:v23+s15+$0x0], $0xffff;
	v23 =	vshll.u32 v32, $0x3  }
0x11b: {  	v37 =	vmov s1;
	v33 =	vor.u32 v1, v15;
	v36 =	vor.u32 v1, v17;
	v18 =	vld.idx.msk [tilespmem:v18+s15+$0x0], $0xffff  }
0x11c: {  	v38 =	vor.u32 s22, v9;
	v20 =	vand.u32 $0x400, v20;
	v40 =	vor.u32 s1, v9;
	v39 =	vld.idx.msk [tilespmem:v19+s18+$0x0], $0xffff  }
0x11d: {  	v41 =	vshll.u32 v26, $0x3;
	v32 =	vand.u32 $0x7B, v32;
	v19 =	vld.idx.msk [tilespmem:v28+s15+$0x0], $0xffff;
	v28 =	vand.u32 $0x79, v26  }
0x11e: {  	v20 =	vor.u32 v30, v20;
	v26 =	vand.u32 $0x400, v29;
	v29 =	vadd.s32 v8, v10;
	[tilespmem:v24+s2+$0x0] =	vst.idx.add.f32.msk $0x1, v31  }
0x11f: {  	v10 =	vshll.u32 v37, $0x3;
	v30 =	vadd.s32 v2, v16;
	v26 =	vor.u32 v34, v26;
	[tilespmem:v11+s2+$0x0] =	vst.idx.add.f32.msk $0x1, v21  }
0x120: {  	v31 =	vor.u32 s30, v9;
	v10 =	vand.u32 $0x400, v10;
	v11 =	vand.u32 $0x7F, v37;
	[tilespmem:v22+s2+$0x0] =	vst.idx.add.f32.msk $0x1, v12  }
0x121: {  	v34 =	vor.u32 v3, v15;
	v12 =	vand.u32 $0x400, v41;
	v24 =	vor.u32 v11, v10;
	v33 =	vld.idx.msk [tilespmem:v33+s18+$0x0], $0xffff  }
0x122: {  	v21 =	vor.u32 v28, v12;
	v28 =	vor.u32 v1, v20;
	v12 =	vor.u32 v7, v14;
	v10 =	vld.idx.msk [tilespmem:v38+s15+$0x0], $0xffff  }
0x123: {  	v37 =	vor.u32 s31, v9;
	v11 =	vand.u32 $0x400, v23;
	[tilespmem:v25+s2+$0x0] =	vst.idx.add.f32.msk $0x1, v35  }
0x124: {  	v22 =	vor.u32 v32, v11;
	v25 =	vor.u32 v1, v24;
	v11 =	vld.idx.msk [tilespmem:v40+s15+$0x0], $0xffff  }
0x125: {  	v32 =	vor.u32 v1, v22;
	v23 =	vld.idx.msk [tilespmem:v31+s15+$0x0], $0xffff  }
0x126: {  	v35 =	vor.u32 v1, v21;
	v31 =	vadd.s32 v4, v16;
	[tilespmem:v29+s2+$0x0] =	vst.idx.add.f32.msk $0x1, v27  }
0x127: {  	v27 =	vld.idx.msk [tilespmem:v28+s18+$0x0], $0xffff;
	v28 =	vadd.s32 v2, v18  }
0x128: {  	v29 =	vld.idx.msk [tilespmem:v37+s15+$0x0], $0xffff;
	v37 =	vor.u32 v1, v26  }
0x129: {  	v38 =	vadd.s32 v2, v13;
	v36 =	vld.idx.msk [tilespmem:v36+s18+$0x0], $0xffff  }
0x12a: {  	v41 =	vor.u32 v3, v17;
	v40 =	vor.u32 v3, v20;
	v42 =	vadd.s32 v2, v11;
	v32 =	vld.idx.msk [tilespmem:v32+s18+$0x0], $0xffff  }
0x12b: {  	v44 =	vor.u32 v3, v24;
	v43 =	vadd.s32 v2, v10;
	v35 =	vld.idx.msk [tilespmem:v35+s18+$0x0], $0xffff  }
0x12c: {  	[tilespmem:v30+s2+$0x0] =	vst.idx.add.f32.msk $0xffff, v33;
	v30 =	vor.u32 v3, v22;
	v33 =	vadd.s32 v2, v23  }
0x12d: {  	v34 =	vld.idx.msk [tilespmem:v34+s18+$0x0], $0xffff  }
0x12e: {  	v45 =	vadd.s32 v2, v19;
	v46 =	vadd.s32 v2, v29;
	v37 =	vld.idx.msk [tilespmem:v37+s18+$0x0], $0xffff  }
0x12f: {  	v25 =	vld.idx.msk [tilespmem:v25+s18+$0x0], $0xffff  }
0x130: {  	v47 =	vadd.s32 v4, v13;
	[tilespmem:v43+s2+$0x0] =	vst.idx.add.f32.msk $0xffff, v32  }
0x131: {  	[tilespmem:v38+s2+$0x0] =	vst.idx.add.f32.msk $0xffff, v27  }
0x132: {  	v27 =	vadd.s32 v4, v18;
	[tilespmem:v33+s2+$0x0] =	vst.idx.add.f32.msk $0xffff, v39  }
0x133: {  	v32 =	vor.u32 v3, v21;
	[tilespmem:v45+s2+$0x0] =	vst.idx.add.f32.msk $0xffff, v35  }
0x134: {  	v33 =	vor.u32 v3, v26;
	v35 =	vadd.s32 v4, v29;
	[tilespmem:v28+s2+$0x0] =	vst.idx.add.f32.msk $0xffff, v36  }
0x135: {  	v28 =	vld.idx.msk [tilespmem:v41+s18+$0x0], $0xffff  }
0x136: {  	v30 =	vld.idx.msk [tilespmem:v30+s18+$0x0], $0xffff  }
0x137: {  	v36 =	vor.u32 v3, v14;
	[tilespmem:v42+s2+$0x0] =	vst.idx.add.f32.msk $0xffff, v25  }
0x138: {  	[tilespmem:v46+s2+$0x0] =	vst.idx.add.f32.msk $0xffff, v37  }
0x139: {  	v25 =	vadd.s32 v4, v10;
	v33 =	vld.idx.msk [tilespmem:v33+s18+$0x0], $0xffff  }
0x13a: {  	v37 =	vld.idx.msk [tilespmem:v44+s18+$0x0], $0xffff  }
0x13b: {  	v38 =	vor.u32 v5, v22;
	v32 =	vld.idx.msk [tilespmem:v32+s18+$0x0], $0xffff  }
0x13c: {  	v36 =	vld.idx.msk [tilespmem:v36+s18+$0x0], $0xffff  }
0x13d: {  	v39 =	vor.u32 v5, v15;
	v40 =	vld.idx.msk [tilespmem:v40+s18+$0x0], $0xffff  }
0x13e: {  	[tilespmem:v25+s2+$0x0] =	vst.idx.add.f32.msk $0xffff, v30  }
0x13f: {  	v25 =	vor.u32 v5, v20;
	[tilespmem:v27+s2+$0x0] =	vst.idx.add.f32.msk $0xffff, v28  }
0x140: {  	v27 =	vadd.s32 v4, v19;
	v30 =	vld.idx.msk [tilespmem:v38+s18+$0x0], $0xffff  }
0x141: {  	[tilespmem:v31+s2+$0x0] =	vst.idx.add.f32.msk $0xffff, v34  }
0x142: {  	v31 =	vor.u32 v5, v26;
	v28 =	vld.idx.msk [tilespmem:v39+s18+$0x0], $0xffff  }
0x143: {  	v34 =	vor.u32 v5, v17;
	[tilespmem:v47+s2+$0x0] =	vst.idx.add.f32.msk $0xffff, v40  }
0x144: {  	v38 =	vadd.s32 v6, v16;
	v25 =	vld.idx.msk [tilespmem:v25+s18+$0x0], $0xffff  }
0x145: {  	[tilespmem:v27+s2+$0x0] =	vst.idx.add.f32.msk $0xffff, v32;
	v27 =	vadd.s32 v4, v11  }
0x146: {  	v32 =	vor.u32 v5, v24;
	[tilespmem:v35+s2+$0x0] =	vst.idx.add.f32.msk $0xffff, v33  }
0x147: {  	v33 =	vadd.s32 v4, v23;
	v31 =	vld.idx.msk [tilespmem:v31+s18+$0x0], $0xffff  }
0x148: {  	v35 =	vadd.s32 v6, v29;
	v34 =	vld.idx.msk [tilespmem:v34+s18+$0x0], $0xffff  }
0x149: {  	[tilespmem:v38+s2+$0x0] =	vst.idx.add.f32.msk $0xffff, v28;
	v28 =	vadd.s32 v6, v18  }
0x14a: {  	v38 =	vadd.s32 v6, v13;
	[tilespmem:v27+s2+$0x0] =	vst.idx.add.f32.msk $0xffff, v37  }
0x14b: {  	v27 =	vor.u32 v5, v21;
	v32 =	vld.idx.msk [tilespmem:v32+s18+$0x0], $0xffff  }
0x14c: {  	[tilespmem:v33+s2+$0x0] =	vst.idx.add.f32.msk $0xffff, v36;
	v33 =	vadd.s32 v6, v11  }
0x14d: {  	v26 =	vor.u32 v7, v26;
	[tilespmem:v35+s2+$0x0] =	vst.idx.add.f32.msk $0xffff, v31  }
0x14e: {  	v15 =	vor.u32 v7, v15;
	[tilespmem:v28+s2+$0x0] =	vst.idx.add.f32.msk $0xffff, v34  }
0x14f: {  	v14 =	vor.u32 v5, v14;
	[tilespmem:v38+s2+$0x0] =	vst.idx.add.f32.msk $0xffff, v25  }
0x150: {  	v25 =	vor.u32 v7, v20;
	v31 =	vld.idx.msk [tilespmem:v27+s18+$0x0], $0xffff  }
0x151: {  	v34 =	vadd.s32 v6, v19;
	[tilespmem:v33+s2+$0x0] =	vst.idx.add.f32.msk $0xffff, v32  }
0x152: {  	v32 =	vor.u32 v7, v24;
	v27 =	vld.idx.msk [tilespmem:v26+s18+$0x0], $0x1  }
0x153: {  	v33 =	vadd.s32 v6, v10;
	v26 =	vld.idx.msk [tilespmem:v15+s18+$0x0], $0x1  }
.Ltmp8:
0x154: {  	v28 =	vadd.s32 v8, v29;
	v20 =	vld.idx.msk [tilespmem:v14+s18+$0x0], $0xffff;
	(pc) =	sbr.rel @p4 .LBB2_8-.Ltmp8, $4  }
0x155: {  	v15 =	vadd.s32 v8, v16;
	v16 =	vld.idx.msk [tilespmem:v25+s18+$0x0], $0x1;
	v25 =	vadd.s32 v8, v18  }
0x156: {  	v17 =	vor.u32 v7, v17;
	v18 =	vor.u32 v7, v21;
	[tilespmem:v34+s2+$0x0] =	vst.idx.add.f32.msk $0xffff, v31  }
0x157: {  	v13 =	vadd.s32 v8, v13;
	v24 =	vadd.s32 v8, v19;
	v14 =	vadd.s32 v6, v23;
	v21 =	vld.idx.msk [tilespmem:v32+s18+$0x0], $0x1  }
0x158: {  	s31 =	smov.u32 s29;
	v19 =	vor.u32 v7, v22;
	v22 =	vadd.s32 v8, v23;
	[tilespmem:v33+s2+$0x0] =	vst.idx.add.f32.msk $0xffff, v30  }
0x159: {  	_ =	sdelay $0x3  }
0x15a: {  	[tilespmem:v28+s2+$0x0] =	vst.idx.add.f32.msk $0x1, v27  }
0x15b: {  	[tilespmem:v15+s2+$0x0] =	vst.idx.add.f32.msk $0x1, v26  }
0x15c: {  	v9 =	vld.idx.msk [tilespmem:v18+s18+$0x0], $0x1  }
0x15d: {  	[tilespmem:v14+s2+$0x0] =	vst.idx.add.f32.msk $0xffff, v20  }
0x15e: {  	v11 =	vadd.s32 v8, v11;
	v62 =	vld.idx.msk [tilespmem:v19+s18+$0x0], $0x1  }
0x15f: {  	v63 =	vld.idx.msk [tilespmem:v17+s18+$0x0], $0x1  }
0x160: {  	v10 =	vadd.s32 v8, v10;
	s29 =	sadd.s32 $0x1, s28;
	v12 =	vld.idx.msk [tilespmem:v12+s18+$0x0], $0x1  }
0x161: {  	[tilespmem:v13+s2+$0x0] =	vst.idx.add.f32.msk $0x1, v16;
	p4 =	sge.s32 s29, s5  }
.Ltmp9:
0x162: {  	[tilespmem:v24+s2+$0x0] =	vst.idx.add.f32.msk $0x1, v9;
	(pc) =	sbr.rel @p4 .LBB2_13-.Ltmp9, $4  }
0x163: {  	[tilespmem:v11+s2+$0x0] =	vst.idx.add.f32.msk $0x1, v21  }
0x164: {  	[tilespmem:v25+s2+$0x0] =	vst.idx.add.f32.msk $0x1, v63  }
0x165: {  	[tilespmem:v10+s2+$0x0] =	vst.idx.add.f32.msk $0x1, v62  }
0x166: {  	[tilespmem:v22+s2+$0x0] =	vst.idx.add.f32.msk $0x1, v12  }
0x167: {  	s1 =	sadd.s32 $0x3, s28  }
0x168: {  	p4 =	sge.s32 s1, s5  }
0x169: {  	_ =	swait.ge [sflag:s0], $0x3100;
	s1 =	sshll.u32 @!p4 s1, $0x8  }
0x16a: {  	[sflag:s0] =	ssyncset.done $0x0;
	s1 =	sadd.s32 @!p4 s8, s1  }
0x16b: {  	[sflag:s0] =	ssyncadd.s32 $0xFFFFCF00;
	s1 =	sshrl.u32 @!p4 s1, $0x3  }
0x16c: {  	s9 =	simm.s32 @!p4 $0x80;
	s13 =	simm.s32 @!p4 $0x10000;
	s1 =	sadd.s32 @!p4 s3, s1  }
0x16d: {  	[tilespmem:s13], [sflag:$0x1] =	stream.strided.gather @!p4 [hbm4b:s1+s9], $0x400, s13, s9, $0x38;
	[tilespmem:$0x1DC00] =	vst v63  }
0x16e: {  	s30 =	simm.s32 @!p4 $0x10400;
	s22 =	sadd.s32 @!p4 $0x10, s1  }
0x16f: {  	[tilespmem:s30], [sflag:$0x1] =	stream.strided.gather @!p4 [hbm4b:s22+s9], $0x400, s13, s9, $0x38;
	[tilespmem:$0x1DC00] =	vst v63  }
0x170: {  	s22 =	sadd.s32 @!p4 $0x10000, s1;
	s30 =	simm.s32 @!p4 $0x10800  }
0x171: {  	[tilespmem:s30], [sflag:$0x1] =	stream.strided.gather @!p4 [hbm4b:s22+s9], $0x400, s13, s9, $0x38;
	[tilespmem:$0x1DC00] =	vst v63  }
0x172: {  	s22 =	sadd.s32 @!p4 $0x10, s22;
	s30 =	simm.s32 @!p4 $0x10C00  }
0x173: {  	[tilespmem:s30], [sflag:$0x1] =	stream.strided.gather @!p4 [hbm4b:s22+s9], $0x400, s13, s9, $0x38;
	[tilespmem:$0x1DC00] =	vst v63  }
0x174: {  	s22 =	sadd.s32 @!p4 $0x20000, s1;
	s30 =	simm.s32 @!p4 $0x11000  }
0x175: {  	[tilespmem:s30], [sflag:$0x1] =	stream.strided.gather @!p4 [hbm4b:s22+s9], $0x400, s13, s9, $0x38;
	[tilespmem:$0x1DC00] =	vst v63  }
0x176: {  	s22 =	sadd.s32 @!p4 $0x10, s22;
	s30 =	simm.s32 @!p4 $0x11400  }
0x177: {  	[tilespmem:s30], [sflag:$0x1] =	stream.strided.gather @!p4 [hbm4b:s22+s9], $0x400, s13, s9, $0x38;
	[tilespmem:$0x1DC00] =	vst v63  }
0x178: {  	s22 =	sadd.s32 @!p4 $0x30000, s1;
	s30 =	simm.s32 @!p4 $0x11800  }
0x179: {  	[tilespmem:s30], [sflag:$0x1] =	stream.strided.gather @!p4 [hbm4b:s22+s9], $0x400, s13, s9, $0x38;
	[tilespmem:$0x1DC00] =	vst v63  }
0x17a: {  	s22 =	sadd.s32 @!p4 $0x10, s22;
	s30 =	simm.s32 @!p4 $0x11C00  }
0x17b: {  	[tilespmem:s30], [sflag:$0x1] =	stream.strided.gather @!p4 [hbm4b:s22+s9], $0x400, s13, s9, $0x38;
	[tilespmem:$0x1DC00] =	vst v63  }
0x17c: {  	s22 =	sadd.s32 @!p4 $0x40000, s1;
	s30 =	simm.s32 @!p4 $0x12000  }
0x17d: {  	[tilespmem:s30], [sflag:$0x1] =	stream.strided.gather @!p4 [hbm4b:s22+s9], $0x400, s13, s9, $0x38;
	[tilespmem:$0x1DC00] =	vst v63  }
0x17e: {  	s22 =	sadd.s32 @!p4 $0x10, s22;
	s30 =	simm.s32 @!p4 $0x12400  }
0x17f: {  	[tilespmem:s30], [sflag:$0x1] =	stream.strided.gather @!p4 [hbm4b:s22+s9], $0x400, s13, s9, $0x38;
	[tilespmem:$0x1DC00] =	vst v63  }
0x180: {  	s22 =	sadd.s32 @!p4 $0x50000, s1;
	s30 =	simm.s32 @!p4 $0x12800  }
0x181: {  	[tilespmem:s30], [sflag:$0x1] =	stream.strided.gather @!p4 [hbm4b:s22+s9], $0x400, s13, s9, $0x38;
	[tilespmem:$0x1DC00] =	vst v63  }
0x182: {  	s29 =	sshll.u32 s29, $0x8;
	s22 =	sadd.s32 @!p4 $0x10, s22;
	s30 =	simm.s32 @!p4 $0x12C00  }
0x183: {  	[tilespmem:s30], [sflag:$0x1] =	stream.strided.gather @!p4 [hbm4b:s22+s9], $0x400, s13, s9, $0x38;
	[tilespmem:$0x1DC00] =	vst v63  }
0x184: {  	s13 =	ssub.s32 s29, s7;
	s22 =	simm.s32 $0x0  }
0x185: {  	s1 =	sadd.s32 @!p4 $0x60000, s1;
	s9 =	simm.s32 $0x1;
	s29 =	simm.s32 @!p4 $0x0;
	v9 =	vmov s13;
	v10 =	vmov s22  }
0x186: {  	s30 =	simm.s32 @!p4 $0x13000;
	s13 =	simm.s32 $0x6;
	v11 =	vor.u32 s22, v9;
	v12 =	vand.u32 $0x78, v10;
	s22 =	simm.s32 $0x2  }
0x187: {  	v16 =	vor.u32 s9, v9;
	v13 =	vmov s13;
	v10 =	vshll.u32 v10, $0x3;
	[tilespmem:s30], [sflag:$0x1] =	stream.linear.gather @!p4 [hbm4b:s1+s29], $0x80, $0x38;
	[tilespmem:$0x1DC00] =	vst v63  }
0x188: {  	s30 =	simm.s32 $0x3;
	v14 =	vor.u32 s22, v9;
	v15 =	vshll.u32 v13, $0x3;
	v10 =	vand.u32 $0x400, v10  }
0x189: {  	v17 =	vand.u32 $0x7E, v13;
	v26 =	vor.u32 s30, v9;
	v15 =	vand.u32 $0x400, v15  }
0x18a: {  	v13 =	vor.u32 v12, v10;
	v10 =	vmov s22;
	s22 =	simm.s32 $0x5;
	v12 =	vor.u32 v17, v15  }
0x18b: {  	s1 =	sadd.s32 @!p4 $0x10, s1;
	v17 =	vmov s9;
	v18 =	vor.u32 s22, v9;
	s9 =	simm.s32 @!p4 $0x13400;
	v20 =	vand.u32 $0x7A, v10  }
0x18c: {  	v22 =	vmov s22;
	v10 =	vshll.u32 v10, $0x3;
	v19 =	vor.u32 v1, v12;
	[tilespmem:s9], [sflag:$0x1] =	stream.linear.gather @!p4 [hbm4b:s1+s29], $0x80, $0x38;
	[tilespmem:$0x1DC00] =	vst v63  }
0x18d: {  	v24 =	vshll.u32 v22, $0x3;
	v10 =	vand.u32 $0x400, v10;
	v15 =	vld.idx.msk [tilespmem:v11+s15+$0x0], $0xffff;
	v11 =	vor.u32 v1, v13  }
0x18e: {  	v22 =	vand.u32 $0x7D, v22;
	v24 =	vand.u32 $0x400, v24;
	v20 =	vor.u32 v20, v10;
	v30 =	vld.idx.msk [tilespmem:v16+s15+$0x0], $0xffff  }
0x18f: {  	s29 =	simm.s32 $0x7;
	v10 =	vshll.u32 v17, $0x3;
	v14 =	vld.idx.msk [tilespmem:v14+s15+$0x0], $0xffff;
	v22 =	vor.u32 v22, v24;
	v24 =	vor.u32 s13, v9  }
0x190: {  	v21 =	vmov s30;
	v28 =	vor.u32 s29, v9;
	v32 =	vand.u32 $0x400, v10;
	v10 =	vld.idx.msk [tilespmem:v26+s15+$0x0], $0xffff  }
0x191: {  	s31 =	simm.s32 $0x4;
	v27 =	vshll.u32 v21, $0x3;
	v16 =	vor.u32 v1, v20;
	v18 =	vld.idx.msk [tilespmem:v18+s15+$0x0], $0xffff  }
0x192: {  	v17 =	vand.u32 $0x79, v17;
	v31 =	vld.idx.msk [tilespmem:v11+s19+$0x0], $0xffff;
	v11 =	vand.u32 $0x400, v27;
	v27 =	vor.u32 s31, v9  }
0x193: {  	v23 =	vmov s31;
	v29 =	vor.u32 v1, v22;
	v17 =	vor.u32 v17, v32;
	v19 =	vld.idx.msk [tilespmem:v19+s19+$0x0], $0xffff  }
0x194: {  	v25 =	vshll.u32 v23, $0x3;
	v21 =	vand.u32 $0x7B, v21;
	v54 =	vld.idx.msk [tilespmem:v24+s15+$0x0], $0xffff;
	v24 =	vor.u32 v1, v17  }
0x195: {  	v25 =	vand.u32 $0x400, v25;
	v33 =	vor.u32 v21, v11;
	v11 =	vld.idx.msk [tilespmem:v28+s15+$0x0], $0xffff;
	v28 =	vadd.s32 v2, v15  }
0x196: {  	v26 =	vmov s29;
	v21 =	vand.u32 $0x7C, v23;
	v16 =	vld.idx.msk [tilespmem:v16+s19+$0x0], $0xffff;
	v37 =	vadd.s32 v2, v14  }
0x197: {  	v23 =	vor.u32 v1, v33;
	v21 =	vor.u32 v21, v25;
	v25 =	vshll.u32 v26, $0x3;
	v35 =	vld.idx.msk [tilespmem:v27+s15+$0x0], $0xffff  }
0x198: {  	v34 =	vor.u32 v3, v13;
	v26 =	vand.u32 $0x7F, v26;
	v25 =	vand.u32 $0x400, v25;
	v27 =	vld.idx.msk [tilespmem:v29+s19+$0x0], $0xffff  }
0x199: {  	v25 =	vor.u32 v26, v25;
	v26 =	vor.u32 v1, v21;
	v24 =	vld.idx.msk [tilespmem:v24+s19+$0x0], $0xffff  }
0x19a: {  	v29 =	vor.u32 v1, v25;
	[tilespmem:v28+s2+$0x0] =	vst.idx.add.f32.msk $0xffff, v31  }
0x19b: {  	v38 =	vadd.s32 v2, v18;
	[tilespmem:v37+s2+$0x0] =	vst.idx.add.f32.msk $0xffff, v16  }
0x19c: {  	v28 =	vadd.s32 v2, v54;
	v23 =	vld.idx.msk [tilespmem:v23+s19+$0x0], $0xffff  }
0x19d: {  	v55 =	vadd.s32 v2, v30;
	v31 =	vld.idx.msk [tilespmem:v34+s19+$0x0], $0xffff  }
0x19e: {  	v39 =	vor.u32 v3, v22;
	v26 =	vld.idx.msk [tilespmem:v26+s19+$0x0], $0xffff  }
0x19f: {  	v36 =	vadd.s32 v2, v10;
	v29 =	vld.idx.msk [tilespmem:v29+s19+$0x0], $0xffff  }
0x1a0: {  	v57 =	vor.u32 v3, v12;
	[tilespmem:v38+s2+$0x0] =	vst.idx.add.f32.msk $0xffff, v27  }
0x1a1: {  	v59 =	vadd.s32 v4, v15;
	[tilespmem:v28+s2+$0x0] =	vst.idx.add.f32.msk $0xffff, v19  }
0x1a2: {  	v16 =	vadd.s32 v2, v11;
	[tilespmem:v55+s2+$0x0] =	vst.idx.add.f32.msk $0xffff, v24  }
0x1a3: {  	v56 =	vor.u32 v3, v17;
	v28 =	vld.idx.msk [tilespmem:v39+s19+$0x0], $0xffff  }
0x1a4: {  	v19 =	vadd.s32 v2, v35;
	[tilespmem:v36+s2+$0x0] =	vst.idx.add.f32.msk $0xffff, v23  }
0x1a5: {  	v23 =	vor.u32 v3, v33;
	v36 =	vld.idx.msk [tilespmem:v57+s19+$0x0], $0xffff  }
0x1a6: {  	v27 =	vor.u32 v3, v25;
	[tilespmem:v59+s2+$0x0] =	vst.idx.add.f32.msk $0xffff, v31  }
0x1a7: {  	v24 =	vor.u32 v3, v21;
	[tilespmem:v16+s2+$0x0] =	vst.idx.add.f32.msk $0xffff, v29  }
0x1a8: {  	v16 =	vor.u32 v3, v20;
	v29 =	vld.idx.msk [tilespmem:v56+s19+$0x0], $0xffff  }
0x1a9: {  	[tilespmem:v19+s2+$0x0] =	vst.idx.add.f32.msk $0xffff, v26;
	v26 =	vadd.s32 v4, v18  }
0x1aa: {  	v19 =	vadd.s32 v4, v10;
	v23 =	vld.idx.msk [tilespmem:v23+s19+$0x0], $0xffff  }
0x1ab: {  	v60 =	vor.u32 v5, v13;
	v27 =	vld.idx.msk [tilespmem:v27+s19+$0x0], $0xffff  }
0x1ac: {  	v58 =	vor.u32 v5, v33;
	v24 =	vld.idx.msk [tilespmem:v24+s19+$0x0], $0xffff  }
0x1ad: {  	v61 =	vadd.s32 v4, v14;
	v16 =	vld.idx.msk [tilespmem:v16+s19+$0x0], $0xffff  }
0x1ae: {  	[tilespmem:v26+s2+$0x0] =	vst.idx.add.f32.msk $0xffff, v28;
	v26 =	vadd.s32 v4, v35  }
0x1af: {  	[tilespmem:v19+s2+$0x0] =	vst.idx.add.f32.msk $0xffff, v23;
	v23 =	vadd.s32 v4, v30  }
0x1b0: {  	v62 =	vadd.s32 v6, v15;
	v28 =	vld.idx.msk [tilespmem:v60+s19+$0x0], $0xffff  }
0x1b1: {  	v31 =	vor.u32 v5, v21;
	v34 =	vld.idx.msk [tilespmem:v58+s19+$0x0], $0xffff  }
0x1b2: {  	v19 =	vor.u32 v5, v20;
	[tilespmem:v61+s2+$0x0] =	vst.idx.add.f32.msk $0xffff, v16  }
0x1b3: {  	v16 =	vor.u32 v5, v22;
	[tilespmem:v26+s2+$0x0] =	vst.idx.add.f32.msk $0xffff, v24  }
0x1b4: {  	[tilespmem:v23+s2+$0x0] =	vst.idx.add.f32.msk $0xffff, v29;
	v23 =	vadd.s32 v4, v11  }
0x1b5: {  	[tilespmem:v62+s2+$0x0] =	vst.idx.add.f32.msk $0xffff, v28;
	v29 =	vadd.s32 v4, v54  }
0x1b6: {  	v26 =	vld.idx.msk [tilespmem:v31+s19+$0x0], $0xffff;
	v31 =	vadd.s32 v6, v35  }
0x1b7: {  	v24 =	vor.u32 v5, v25;
	v19 =	vld.idx.msk [tilespmem:v19+s19+$0x0], $0xffff  }
0x1b8: {  	v63 =	vadd.s32 v6, v14;
	v16 =	vld.idx.msk [tilespmem:v16+s19+$0x0], $0xffff  }
0x1b9: {  	v13 =	vor.u32 v7, v13;
	[tilespmem:v23+s2+$0x0] =	vst.idx.add.f32.msk $0xffff, v27  }
0x1ba: {  	v28 =	vadd.s32 v6, v18;
	[tilespmem:v29+s2+$0x0] =	vst.idx.add.f32.msk $0xffff, v36  }
0x1bb: {  	v23 =	vor.u32 v5, v17;
	[tilespmem:v31+s2+$0x0] =	vst.idx.add.f32.msk $0xffff, v26  }
0x1bc: {  	v27 =	vadd.s32 v6, v11;
	v24 =	vld.idx.msk [tilespmem:v24+s19+$0x0], $0xffff  }
0x1bd: {  	v21 =	vor.u32 v7, v21;
	[tilespmem:v63+s2+$0x0] =	vst.idx.add.f32.msk $0xffff, v19  }
0x1be: {  	v26 =	vld.idx.msk [tilespmem:v13+s19+$0x0], $0x1;
	v31 =	vadd.s32 v6, v10  }
0x1bf: {  	[tilespmem:v28+s2+$0x0] =	vst.idx.add.f32.msk $0xffff, v16;
	v16 =	vor.u32 v5, v12  }
0x1c0: {  	v19 =	vld.idx.msk [tilespmem:v23+s19+$0x0], $0xffff;
	v23 =	vor.u32 v7, v20  }
0x1c1: {  	v29 =	vadd.s32 v6, v30;
	[tilespmem:v27+s2+$0x0] =	vst.idx.add.f32.msk $0xffff, v24  }
0x1c2: {  	v27 =	vld.idx.msk [tilespmem:v21+s19+$0x0], $0x1;
	v21 =	vor.u32 v7, v25  }
0x1c3: {  	[tilespmem:v31+s2+$0x0] =	vst.idx.add.f32.msk $0xffff, v34  }
0x1c4: {  	v15 =	vadd.s32 v8, v15;
	v13 =	vadd.s32 v8, v14;
	v28 =	vadd.s32 v8, v35;
	v20 =	vld.idx.msk [tilespmem:v16+s19+$0x0], $0xffff  }
0x1c5: {  	v14 =	vadd.s32 v6, v54;
	v12 =	vor.u32 v7, v12;
	v25 =	vadd.s32 v8, v18;
	v16 =	vld.idx.msk [tilespmem:v23+s19+$0x0], $0x1  }
0x1c6: {  	v18 =	vor.u32 v7, v17;
	v17 =	vor.u32 v7, v22;
	[tilespmem:v29+s2+$0x0] =	vst.idx.add.f32.msk $0xffff, v19  }
0x1c7: {  	s31 =	simm.s32 $0x8;
	v24 =	vadd.s32 v8, v30;
	v22 =	vadd.s32 v8, v54;
	v19 =	vor.u32 v7, v33;
	v21 =	vld.idx.msk [tilespmem:v21+s19+$0x0], $0x1  }
.LBB2_11:
0x1c8: {  	s1 =	sadd.s32 $0x1, s31  }
0x1c9: {  	v23 =	vmov s31;
	v29 =	vor.u32 s31, v9;
	s30 =	sadd.s32 $0x6, s31;
	[tilespmem:v28+s2+$0x0] =	vst.idx.add.f32.msk $0x1, v27;
	v11 =	vadd.s32 v8, v11;
	s9 =	smov.u32 s31;
	s29 =	sadd.s32 $0x8, s31  }
0x1ca: {  	p4 =	slt.u32 s31, $0xF8;
	v27 =	vand.u32 $0x78, v23;
	v28 =	vor.u32 s1, v9;
	s13 =	sadd.s32 $0x2, s9;
	v30 =	vmov s30;
	[tilespmem:v15+s2+$0x0] =	vst.idx.add.f32.msk $0x1, v26  }
0x1cb: {  	v15 =	vshll.u32 v23, $0x3;
	s22 =	sadd.s32 $0x3, s9;
	v23 =	vor.u32 s13, v9;
	v26 =	vshll.u32 v30, $0x3;
	v31 =	vld.idx.msk [tilespmem:v18+s19+$0x0], $0x1  }
0x1cc: {  	s31 =	sadd.s32 $0x4, s9;
	v15 =	vand.u32 $0x400, v15;
	v18 =	vand.u32 $0x7E, v30;
	v26 =	vand.u32 $0x400, v26;
	[tilespmem:v14+s2+$0x0] =	vst.idx.add.f32.msk $0xffff, v20  }
0x1cd: {  	v15 =	vor.u32 v27, v15;
	v20 =	vmov s13;
	s13 =	sadd.s32 $0x5, s9;
	v14 =	vor.u32 v18, v26;
	v27 =	vld.idx.msk [tilespmem:v19+s19+$0x0], $0x1  }
0x1ce: {  	v26 =	vmov s1;
	v18 =	vor.u32 s13, v9;
	v19 =	vor.u32 v1, v14;
	v12 =	vld.idx.msk [tilespmem:v12+s19+$0x0], $0x1  }
0x1cf: {  	v32 =	vmov s22;
	v30 =	vand.u32 $0x7A, v20;
	v33 =	vmov s13;
	[tilespmem:v13+s2+$0x0] =	vst.idx.add.f32.msk $0x1, v16  }
0x1d0: {  	v34 =	vmov s31;
	v20 =	vshll.u32 v20, $0x3;
	s1 =	sadd.s32 $0x7, s9;
	v13 =	vshll.u32 v33, $0x3;
	v35 =	vld.idx.msk [tilespmem:v17+s19+$0x0], $0x1  }
0x1d1: {  	v17 =	vand.u32 $0x7D, v33;
	v33 =	vand.u32 $0x400, v13;
	v16 =	vld.idx.msk [tilespmem:v29+s15+$0x0], $0xffff;
	v29 =	vshll.u32 v34, $0x3  }
0x1d2: {  	v34 =	vand.u32 $0x7C, v34;
	v17 =	vor.u32 v17, v33;
	v13 =	vld.idx.msk [tilespmem:v23+s15+$0x0], $0xffff;
	v23 =	vshll.u32 v32, $0x3  }
0x1d3: {  	v37 =	vmov s1;
	v33 =	vor.u32 v1, v15;
	v36 =	vor.u32 v1, v17;
	v18 =	vld.idx.msk [tilespmem:v18+s15+$0x0], $0xffff  }
0x1d4: {  	v38 =	vor.u32 s22, v9;
	v20 =	vand.u32 $0x400, v20;
	v40 =	vor.u32 s1, v9;
	v39 =	vld.idx.msk [tilespmem:v19+s19+$0x0], $0xffff  }
0x1d5: {  	v41 =	vshll.u32 v26, $0x3;
	v32 =	vand.u32 $0x7B, v32;
	v19 =	vld.idx.msk [tilespmem:v28+s15+$0x0], $0xffff;
	v28 =	vand.u32 $0x79, v26  }
0x1d6: {  	v20 =	vor.u32 v30, v20;
	v26 =	vand.u32 $0x400, v29;
	v29 =	vadd.s32 v8, v10;
	[tilespmem:v24+s2+$0x0] =	vst.idx.add.f32.msk $0x1, v31  }
0x1d7: {  	v10 =	vshll.u32 v37, $0x3;
	v30 =	vadd.s32 v2, v16;
	v26 =	vor.u32 v34, v26;
	[tilespmem:v11+s2+$0x0] =	vst.idx.add.f32.msk $0x1, v21  }
0x1d8: {  	v31 =	vor.u32 s30, v9;
	v10 =	vand.u32 $0x400, v10;
	v11 =	vand.u32 $0x7F, v37;
	[tilespmem:v22+s2+$0x0] =	vst.idx.add.f32.msk $0x1, v12  }
0x1d9: {  	v34 =	vor.u32 v3, v15;
	v12 =	vand.u32 $0x400, v41;
	v24 =	vor.u32 v11, v10;
	v33 =	vld.idx.msk [tilespmem:v33+s19+$0x0], $0xffff  }
0x1da: {  	v21 =	vor.u32 v28, v12;
	v28 =	vor.u32 v1, v20;
	v12 =	vor.u32 v7, v14;
	v10 =	vld.idx.msk [tilespmem:v38+s15+$0x0], $0xffff  }
0x1db: {  	v37 =	vor.u32 s31, v9;
	v11 =	vand.u32 $0x400, v23;
	[tilespmem:v25+s2+$0x0] =	vst.idx.add.f32.msk $0x1, v35  }
0x1dc: {  	v22 =	vor.u32 v32, v11;
	v25 =	vor.u32 v1, v24;
	v11 =	vld.idx.msk [tilespmem:v40+s15+$0x0], $0xffff  }
0x1dd: {  	v32 =	vor.u32 v1, v22;
	v23 =	vld.idx.msk [tilespmem:v31+s15+$0x0], $0xffff  }
0x1de: {  	v35 =	vor.u32 v1, v21;
	v31 =	vadd.s32 v4, v16;
	[tilespmem:v29+s2+$0x0] =	vst.idx.add.f32.msk $0x1, v27  }
0x1df: {  	v27 =	vld.idx.msk [tilespmem:v28+s19+$0x0], $0xffff;
	v28 =	vadd.s32 v2, v18  }
0x1e0: {  	v29 =	vld.idx.msk [tilespmem:v37+s15+$0x0], $0xffff;
	v37 =	vor.u32 v1, v26  }
0x1e1: {  	v38 =	vadd.s32 v2, v13;
	v36 =	vld.idx.msk [tilespmem:v36+s19+$0x0], $0xffff  }
0x1e2: {  	v41 =	vor.u32 v3, v17;
	v40 =	vor.u32 v3, v20;
	v42 =	vadd.s32 v2, v11;
	v32 =	vld.idx.msk [tilespmem:v32+s19+$0x0], $0xffff  }
0x1e3: {  	v44 =	vor.u32 v3, v24;
	v43 =	vadd.s32 v2, v10;
	v35 =	vld.idx.msk [tilespmem:v35+s19+$0x0], $0xffff  }
0x1e4: {  	[tilespmem:v30+s2+$0x0] =	vst.idx.add.f32.msk $0xffff, v33;
	v30 =	vor.u32 v3, v22;
	v33 =	vadd.s32 v2, v23  }
0x1e5: {  	v34 =	vld.idx.msk [tilespmem:v34+s19+$0x0], $0xffff  }
0x1e6: {  	v45 =	vadd.s32 v2, v19;
	v46 =	vadd.s32 v2, v29;
	v37 =	vld.idx.msk [tilespmem:v37+s19+$0x0], $0xffff  }
0x1e7: {  	v25 =	vld.idx.msk [tilespmem:v25+s19+$0x0], $0xffff  }
0x1e8: {  	v47 =	vadd.s32 v4, v13;
	[tilespmem:v43+s2+$0x0] =	vst.idx.add.f32.msk $0xffff, v32  }
0x1e9: {  	[tilespmem:v38+s2+$0x0] =	vst.idx.add.f32.msk $0xffff, v27  }
0x1ea: {  	v27 =	vadd.s32 v4, v18;
	[tilespmem:v33+s2+$0x0] =	vst.idx.add.f32.msk $0xffff, v39  }
0x1eb: {  	v32 =	vor.u32 v3, v21;
	[tilespmem:v45+s2+$0x0] =	vst.idx.add.f32.msk $0xffff, v35  }
0x1ec: {  	v33 =	vor.u32 v3, v26;
	v35 =	vadd.s32 v4, v29;
	[tilespmem:v28+s2+$0x0] =	vst.idx.add.f32.msk $0xffff, v36  }
0x1ed: {  	v28 =	vld.idx.msk [tilespmem:v41+s19+$0x0], $0xffff  }
0x1ee: {  	v30 =	vld.idx.msk [tilespmem:v30+s19+$0x0], $0xffff  }
0x1ef: {  	v36 =	vor.u32 v3, v14;
	[tilespmem:v42+s2+$0x0] =	vst.idx.add.f32.msk $0xffff, v25  }
0x1f0: {  	[tilespmem:v46+s2+$0x0] =	vst.idx.add.f32.msk $0xffff, v37  }
0x1f1: {  	v25 =	vadd.s32 v4, v10;
	v33 =	vld.idx.msk [tilespmem:v33+s19+$0x0], $0xffff  }
0x1f2: {  	v37 =	vld.idx.msk [tilespmem:v44+s19+$0x0], $0xffff  }
0x1f3: {  	v38 =	vor.u32 v5, v22;
	v32 =	vld.idx.msk [tilespmem:v32+s19+$0x0], $0xffff  }
0x1f4: {  	v36 =	vld.idx.msk [tilespmem:v36+s19+$0x0], $0xffff  }
0x1f5: {  	v39 =	vor.u32 v5, v15;
	v40 =	vld.idx.msk [tilespmem:v40+s19+$0x0], $0xffff  }
0x1f6: {  	[tilespmem:v25+s2+$0x0] =	vst.idx.add.f32.msk $0xffff, v30  }
0x1f7: {  	v25 =	vor.u32 v5, v20;
	[tilespmem:v27+s2+$0x0] =	vst.idx.add.f32.msk $0xffff, v28  }
0x1f8: {  	v27 =	vadd.s32 v4, v19;
	v30 =	vld.idx.msk [tilespmem:v38+s19+$0x0], $0xffff  }
0x1f9: {  	[tilespmem:v31+s2+$0x0] =	vst.idx.add.f32.msk $0xffff, v34  }
0x1fa: {  	v31 =	vor.u32 v5, v26;
	v28 =	vld.idx.msk [tilespmem:v39+s19+$0x0], $0xffff  }
0x1fb: {  	v34 =	vor.u32 v5, v17;
	[tilespmem:v47+s2+$0x0] =	vst.idx.add.f32.msk $0xffff, v40  }
0x1fc: {  	v38 =	vadd.s32 v6, v16;
	v25 =	vld.idx.msk [tilespmem:v25+s19+$0x0], $0xffff  }
0x1fd: {  	[tilespmem:v27+s2+$0x0] =	vst.idx.add.f32.msk $0xffff, v32;
	v27 =	vadd.s32 v4, v11  }
0x1fe: {  	v32 =	vor.u32 v5, v24;
	[tilespmem:v35+s2+$0x0] =	vst.idx.add.f32.msk $0xffff, v33  }
0x1ff: {  	v33 =	vadd.s32 v4, v23;
	v31 =	vld.idx.msk [tilespmem:v31+s19+$0x0], $0xffff  }
0x200: {  	v35 =	vadd.s32 v6, v29;
	v34 =	vld.idx.msk [tilespmem:v34+s19+$0x0], $0xffff  }
0x201: {  	[tilespmem:v38+s2+$0x0] =	vst.idx.add.f32.msk $0xffff, v28;
	v28 =	vadd.s32 v6, v18  }
0x202: {  	v38 =	vadd.s32 v6, v13;
	[tilespmem:v27+s2+$0x0] =	vst.idx.add.f32.msk $0xffff, v37  }
0x203: {  	v27 =	vor.u32 v5, v21;
	v32 =	vld.idx.msk [tilespmem:v32+s19+$0x0], $0xffff  }
0x204: {  	[tilespmem:v33+s2+$0x0] =	vst.idx.add.f32.msk $0xffff, v36;
	v33 =	vadd.s32 v6, v11  }
0x205: {  	v26 =	vor.u32 v7, v26;
	[tilespmem:v35+s2+$0x0] =	vst.idx.add.f32.msk $0xffff, v31  }
0x206: {  	v15 =	vor.u32 v7, v15;
	[tilespmem:v28+s2+$0x0] =	vst.idx.add.f32.msk $0xffff, v34  }
0x207: {  	v14 =	vor.u32 v5, v14;
	[tilespmem:v38+s2+$0x0] =	vst.idx.add.f32.msk $0xffff, v25  }
0x208: {  	v25 =	vor.u32 v7, v20;
	v31 =	vld.idx.msk [tilespmem:v27+s19+$0x0], $0xffff  }
0x209: {  	v34 =	vadd.s32 v6, v19;
	[tilespmem:v33+s2+$0x0] =	vst.idx.add.f32.msk $0xffff, v32  }
0x20a: {  	v32 =	vor.u32 v7, v24;
	v27 =	vld.idx.msk [tilespmem:v26+s19+$0x0], $0x1  }
0x20b: {  	v33 =	vadd.s32 v6, v10;
	v26 =	vld.idx.msk [tilespmem:v15+s19+$0x0], $0x1  }
.Ltmp10:
0x20c: {  	v28 =	vadd.s32 v8, v29;
	v20 =	vld.idx.msk [tilespmem:v14+s19+$0x0], $0xffff;
	(pc) =	sbr.rel @p4 .LBB2_11-.Ltmp10, $4  }
0x20d: {  	v15 =	vadd.s32 v8, v16;
	v16 =	vld.idx.msk [tilespmem:v25+s19+$0x0], $0x1;
	v25 =	vadd.s32 v8, v18  }
0x20e: {  	v17 =	vor.u32 v7, v17;
	v18 =	vor.u32 v7, v21;
	[tilespmem:v34+s2+$0x0] =	vst.idx.add.f32.msk $0xffff, v31  }
0x20f: {  	v13 =	vadd.s32 v8, v13;
	v24 =	vadd.s32 v8, v19;
	v14 =	vadd.s32 v6, v23;
	v21 =	vld.idx.msk [tilespmem:v32+s19+$0x0], $0x1  }
0x210: {  	s31 =	smov.u32 s29;
	v19 =	vor.u32 v7, v22;
	v22 =	vadd.s32 v8, v23;
	[tilespmem:v33+s2+$0x0] =	vst.idx.add.f32.msk $0xffff, v30  }
0x211: {  	_ =	sdelay $0x3  }
0x212: {  	[tilespmem:v28+s2+$0x0] =	vst.idx.add.f32.msk $0x1, v27  }
0x213: {  	[tilespmem:v15+s2+$0x0] =	vst.idx.add.f32.msk $0x1, v26  }
0x214: {  	v9 =	vld.idx.msk [tilespmem:v18+s19+$0x0], $0x1  }
0x215: {  	[tilespmem:v14+s2+$0x0] =	vst.idx.add.f32.msk $0xffff, v20  }
0x216: {  	v11 =	vadd.s32 v8, v11;
	v62 =	vld.idx.msk [tilespmem:v19+s19+$0x0], $0x1  }
0x217: {  	v63 =	vld.idx.msk [tilespmem:v17+s19+$0x0], $0x1  }
0x218: {  	v10 =	vadd.s32 v8, v10;
	v12 =	vld.idx.msk [tilespmem:v12+s19+$0x0], $0x1  }
0x219: {  	[tilespmem:v13+s2+$0x0] =	vst.idx.add.f32.msk $0x1, v16  }
0x21a: {  	[tilespmem:v24+s2+$0x0] =	vst.idx.add.f32.msk $0x1, v9  }
0x21b: {  	[tilespmem:v11+s2+$0x0] =	vst.idx.add.f32.msk $0x1, v21  }
0x21c: {  	[tilespmem:v25+s2+$0x0] =	vst.idx.add.f32.msk $0x1, v63  }
0x21d: {  	[tilespmem:v10+s2+$0x0] =	vst.idx.add.f32.msk $0x1, v62  }
0x21e: {  	[tilespmem:v22+s2+$0x0] =	vst.idx.add.f32.msk $0x1, v12  }
.LBB2_13:
.Ltmp11:
0x21f: {  	(pc) =	sbr.rel @p3 .LBB2_17-.Ltmp11, $1  }
0x220: {  	_ =	sdelay $0x3  }
0x221: {  	s1 =	sadd.s32 $0x4, s28  }
0x222: {  	p3 =	sge.s32 s1, s5  }
0x223: {  	_ =	swait.ge [sflag:s20], $0x3100;
	s1 =	sshll.u32 @!p3 s1, $0x8  }
0x224: {  	[sflag:s20] =	ssyncset.done $0x0;
	s1 =	sadd.s32 @!p3 s8, s1  }
0x225: {  	[sflag:s20] =	ssyncadd.s32 $0xFFFFCF00;
	s9 =	simm.s32 @!p3 $0x80;
	s1 =	sshrl.u32 @!p3 s1, $0x3  }
0x226: {  	s13 =	simm.s32 @!p3 $0x10000;
	s22 =	simm.s32 @!p3 $0x13800;
	s1 =	sadd.s32 @!p3 s3, s1  }
0x227: {  	[tilespmem:s22], [sflag:$0x2] =	stream.strided.gather @!p3 [hbm4b:s1+s9], $0x400, s13, s9, $0x38;
	[tilespmem:$0x1DC00] =	vst v63  }
0x228: {  	s28 =	simm.s32 @!p3 $0x13C00;
	s22 =	sadd.s32 @!p3 $0x10, s1  }
0x229: {  	[tilespmem:s28], [sflag:$0x2] =	stream.strided.gather @!p3 [hbm4b:s22+s9], $0x400, s13, s9, $0x38;
	[tilespmem:$0x1DC00] =	vst v63  }
0x22a: {  	s22 =	sadd.s32 @!p3 $0x10000, s1;
	s28 =	simm.s32 @!p3 $0x14000  }
0x22b: {  	[tilespmem:s28], [sflag:$0x2] =	stream.strided.gather @!p3 [hbm4b:s22+s9], $0x400, s13, s9, $0x38;
	[tilespmem:$0x1DC00] =	vst v63  }
0x22c: {  	s22 =	sadd.s32 @!p3 $0x10, s22;
	s28 =	simm.s32 @!p3 $0x14400  }
0x22d: {  	[tilespmem:s28], [sflag:$0x2] =	stream.strided.gather @!p3 [hbm4b:s22+s9], $0x400, s13, s9, $0x38;
	[tilespmem:$0x1DC00] =	vst v63  }
0x22e: {  	s22 =	sadd.s32 @!p3 $0x20000, s1;
	s28 =	simm.s32 @!p3 $0x14800  }
0x22f: {  	[tilespmem:s28], [sflag:$0x2] =	stream.strided.gather @!p3 [hbm4b:s22+s9], $0x400, s13, s9, $0x38;
	[tilespmem:$0x1DC00] =	vst v63  }
0x230: {  	s22 =	sadd.s32 @!p3 $0x10, s22;
	s28 =	simm.s32 @!p3 $0x14C00  }
0x231: {  	[tilespmem:s28], [sflag:$0x2] =	stream.strided.gather @!p3 [hbm4b:s22+s9], $0x400, s13, s9, $0x38;
	[tilespmem:$0x1DC00] =	vst v63  }
0x232: {  	s22 =	sadd.s32 @!p3 $0x30000, s1;
	s28 =	simm.s32 @!p3 $0x15000  }
0x233: {  	[tilespmem:s28], [sflag:$0x2] =	stream.strided.gather @!p3 [hbm4b:s22+s9], $0x400, s13, s9, $0x38;
	[tilespmem:$0x1DC00] =	vst v63  }
0x234: {  	s22 =	sadd.s32 @!p3 $0x10, s22;
	s28 =	simm.s32 @!p3 $0x15400  }
0x235: {  	[tilespmem:s28], [sflag:$0x2] =	stream.strided.gather @!p3 [hbm4b:s22+s9], $0x400, s13, s9, $0x38;
	[tilespmem:$0x1DC00] =	vst v63  }
0x236: {  	s26 =	sshll.u32 s26, $0x8;
	s22 =	sadd.s32 @!p3 $0x40000, s1;
	s28 =	simm.s32 @!p3 $0x15800  }
0x237: {  	[tilespmem:s28], [sflag:$0x2] =	stream.strided.gather @!p3 [hbm4b:s22+s9], $0x400, s13, s9, $0x38;
	[tilespmem:$0x1DC00] =	vst v63  }
0x238: {  	s30 =	simm.s32 $0x2;
	s22 =	sadd.s32 @!p3 $0x10, s22;
	s28 =	simm.s32 @!p3 $0x15C00  }
0x239: {  	[tilespmem:s28], [sflag:$0x2] =	stream.strided.gather @!p3 [hbm4b:s22+s9], $0x400, s13, s9, $0x38;
	[tilespmem:$0x1DC00] =	vst v63  }
0x23a: {  	s31 =	simm.s32 $0x5;
	s22 =	sadd.s32 @!p3 $0x50000, s1;
	s28 =	simm.s32 @!p3 $0x16000  }
0x23b: {  	[tilespmem:s28], [sflag:$0x2] =	stream.strided.gather @!p3 [hbm4b:s22+s9], $0x400, s13, s9, $0x38;
	[tilespmem:$0x1DC00] =	vst v63  }
0x23c: {  	s26 =	ssub.s32 s26, s7;
	s22 =	sadd.s32 @!p3 $0x10, s22;
	s28 =	simm.s32 @!p3 $0x16400  }
0x23d: {  	v22 =	vmov s31;
	v9 =	vmov s26;
	[tilespmem:s28], [sflag:$0x2] =	stream.strided.gather @!p3 [hbm4b:s22+s9], $0x400, s13, s9, $0x38;
	[tilespmem:$0x1DC00] =	vst v63  }
0x23e: {  	v24 =	vshll.u32 v22, $0x3;
	v22 =	vand.u32 $0x7D, v22;
	v14 =	vor.u32 s30, v9;
	s28 =	simm.s32 $0x0  }
0x23f: {  	v18 =	vor.u32 s31, v9;
	v24 =	vand.u32 $0x400, v24;
	s9 =	simm.s32 $0x1;
	s13 =	simm.s32 $0x6;
	v10 =	vmov s28  }
0x240: {  	v11 =	vor.u32 s28, v9;
	v16 =	vor.u32 s9, v9;
	v13 =	vmov s13  }
0x241: {  	s26 =	simm.s32 @!p3 $0x0;
	s1 =	sadd.s32 @!p3 $0x60000, s1;
	s28 =	simm.s32 @!p3 $0x16800;
	v12 =	vand.u32 $0x78, v10;
	v10 =	vshll.u32 v10, $0x3;
	v15 =	vshll.u32 v13, $0x3  }
0x242: {  	[tilespmem:s28], [sflag:$0x2] =	stream.linear.gather @!p3 [hbm4b:s1+s26], $0x80, $0x38;
	v17 =	vand.u32 $0x7E, v13;
	v10 =	vand.u32 $0x400, v10;
	v15 =	vand.u32 $0x400, v15;
	[tilespmem:$0x1DC00] =	vst v63  }
0x243: {  	s1 =	sadd.s32 @!p3 $0x10, s1;
	v13 =	vor.u32 v12, v10;
	v12 =	vor.u32 v17, v15;
	v17 =	vmov s9;
	s9 =	simm.s32 @!p3 $0x16C00  }
0x244: {  	v22 =	vor.u32 v22, v24;
	v24 =	vor.u32 s13, v9;
	v10 =	vmov s30;
	[tilespmem:s9], [sflag:$0x2] =	stream.linear.gather @!p3 [hbm4b:s1+s26], $0x80, $0x38;
	[tilespmem:$0x1DC00] =	vst v63  }
0x245: {  	v19 =	vor.u32 v1, v12;
	v20 =	vand.u32 $0x7A, v10;
	v10 =	vshll.u32 v10, $0x3;
	v15 =	vld.idx.msk [tilespmem:v11+s15+$0x0], $0xffff  }
0x246: {  	s30 =	simm.s32 $0x3;
	v11 =	vor.u32 v1, v13;
	v14 =	vld.idx.msk [tilespmem:v14+s15+$0x0], $0xffff;
	v10 =	vand.u32 $0x400, v10  }
0x247: {  	s31 =	simm.s32 $0x7;
	v26 =	vor.u32 s30, v9;
	v18 =	vld.idx.msk [tilespmem:v18+s15+$0x0], $0xffff;
	v20 =	vor.u32 v20, v10;
	v10 =	vshll.u32 v17, $0x3  }
0x248: {  	v28 =	vor.u32 s31, v9;
	v30 =	vld.idx.msk [tilespmem:v16+s15+$0x0], $0xffff;
	v17 =	vand.u32 $0x79, v17;
	v32 =	vand.u32 $0x400, v10  }
0x249: {  	v21 =	vmov s30;
	v54 =	vld.idx.msk [tilespmem:v24+s15+$0x0], $0xffff;
	v16 =	vor.u32 v1, v20;
	v17 =	vor.u32 v17, v32  }
0x24a: {  	s29 =	simm.s32 $0x4;
	v27 =	vshll.u32 v21, $0x3;
	v19 =	vld.idx.msk [tilespmem:v19+s21+$0x0], $0xffff;
	v24 =	vor.u32 v1, v17  }
0x24b: {  	v23 =	vmov s29;
	v31 =	vld.idx.msk [tilespmem:v11+s21+$0x0], $0xffff;
	v11 =	vand.u32 $0x400, v27;
	v27 =	vor.u32 s29, v9  }
0x24c: {  	v25 =	vshll.u32 v23, $0x3;
	v29 =	vor.u32 v1, v22;
	v21 =	vand.u32 $0x7B, v21;
	v10 =	vld.idx.msk [tilespmem:v26+s15+$0x0], $0xffff  }
0x24d: {  	v25 =	vand.u32 $0x400, v25;
	v33 =	vor.u32 v21, v11;
	v11 =	vld.idx.msk [tilespmem:v28+s15+$0x0], $0xffff;
	v28 =	vadd.s32 v2, v15  }
0x24e: {  	v26 =	vmov s31;
	v21 =	vand.u32 $0x7C, v23;
	v23 =	vor.u32 v1, v33;
	v16 =	vld.idx.msk [tilespmem:v16+s21+$0x0], $0xffff  }
0x24f: {  	v34 =	vor.u32 v3, v13;
	v21 =	vor.u32 v21, v25;
	v25 =	vshll.u32 v26, $0x3;
	v24 =	vld.idx.msk [tilespmem:v24+s21+$0x0], $0xffff  }
0x250: {  	v37 =	vadd.s32 v2, v14;
	v26 =	vand.u32 $0x7F, v26;
	v25 =	vand.u32 $0x400, v25;
	v35 =	vld.idx.msk [tilespmem:v27+s15+$0x0], $0xffff  }
0x251: {  	v25 =	vor.u32 v26, v25;
	v26 =	vor.u32 v1, v21;
	v27 =	vld.idx.msk [tilespmem:v29+s21+$0x0], $0xffff  }
0x252: {  	v55 =	vadd.s32 v2, v30;
	[tilespmem:v28+s2+$0x0] =	vst.idx.add.f32.msk $0xffff, v31  }
0x253: {  	v29 =	vor.u32 v1, v25;
	v23 =	vld.idx.msk [tilespmem:v23+s21+$0x0], $0xffff  }
0x254: {  	v38 =	vadd.s32 v2, v18;
	v31 =	vld.idx.msk [tilespmem:v34+s21+$0x0], $0xffff  }
0x255: {  	v28 =	vadd.s32 v2, v54;
	[tilespmem:v37+s2+$0x0] =	vst.idx.add.f32.msk $0xffff, v16  }
0x256: {  	v39 =	vor.u32 v3, v22;
	v26 =	vld.idx.msk [tilespmem:v26+s21+$0x0], $0xffff  }
0x257: {  	v36 =	vadd.s32 v2, v10;
	[tilespmem:v55+s2+$0x0] =	vst.idx.add.f32.msk $0xffff, v24  }
0x258: {  	v57 =	vor.u32 v3, v12;
	v29 =	vld.idx.msk [tilespmem:v29+s21+$0x0], $0xffff  }
0x259: {  	v59 =	vadd.s32 v4, v15;
	[tilespmem:v38+s2+$0x0] =	vst.idx.add.f32.msk $0xffff, v27  }
0x25a: {  	v16 =	vadd.s32 v2, v11;
	[tilespmem:v28+s2+$0x0] =	vst.idx.add.f32.msk $0xffff, v19  }
0x25b: {  	v56 =	vor.u32 v3, v17;
	v28 =	vld.idx.msk [tilespmem:v39+s21+$0x0], $0xffff  }
0x25c: {  	v19 =	vadd.s32 v2, v35;
	[tilespmem:v36+s2+$0x0] =	vst.idx.add.f32.msk $0xffff, v23  }
0x25d: {  	v23 =	vor.u32 v3, v33;
	v36 =	vld.idx.msk [tilespmem:v57+s21+$0x0], $0xffff  }
0x25e: {  	v27 =	vor.u32 v3, v25;
	[tilespmem:v59+s2+$0x0] =	vst.idx.add.f32.msk $0xffff, v31  }
0x25f: {  	v24 =	vor.u32 v3, v21;
	[tilespmem:v16+s2+$0x0] =	vst.idx.add.f32.msk $0xffff, v29  }
0x260: {  	v16 =	vor.u32 v3, v20;
	v29 =	vld.idx.msk [tilespmem:v56+s21+$0x0], $0xffff  }
0x261: {  	[tilespmem:v19+s2+$0x0] =	vst.idx.add.f32.msk $0xffff, v26;
	v26 =	vadd.s32 v4, v18  }
0x262: {  	v19 =	vadd.s32 v4, v10;
	v23 =	vld.idx.msk [tilespmem:v23+s21+$0x0], $0xffff  }
0x263: {  	v60 =	vor.u32 v5, v13;
	v27 =	vld.idx.msk [tilespmem:v27+s21+$0x0], $0xffff  }
0x264: {  	v58 =	vor.u32 v5, v33;
	v24 =	vld.idx.msk [tilespmem:v24+s21+$0x0], $0xffff  }
0x265: {  	v61 =	vadd.s32 v4, v14;
	v16 =	vld.idx.msk [tilespmem:v16+s21+$0x0], $0xffff  }
0x266: {  	[tilespmem:v26+s2+$0x0] =	vst.idx.add.f32.msk $0xffff, v28;
	v26 =	vadd.s32 v4, v35  }
0x267: {  	[tilespmem:v19+s2+$0x0] =	vst.idx.add.f32.msk $0xffff, v23;
	v23 =	vadd.s32 v4, v30  }
0x268: {  	v62 =	vadd.s32 v6, v15;
	v28 =	vld.idx.msk [tilespmem:v60+s21+$0x0], $0xffff  }
0x269: {  	v31 =	vor.u32 v5, v21;
	v34 =	vld.idx.msk [tilespmem:v58+s21+$0x0], $0xffff  }
0x26a: {  	v19 =	vor.u32 v5, v20;
	[tilespmem:v61+s2+$0x0] =	vst.idx.add.f32.msk $0xffff, v16  }
0x26b: {  	v16 =	vor.u32 v5, v22;
	[tilespmem:v26+s2+$0x0] =	vst.idx.add.f32.msk $0xffff, v24  }
0x26c: {  	[tilespmem:v23+s2+$0x0] =	vst.idx.add.f32.msk $0xffff, v29;
	v23 =	vadd.s32 v4, v11  }
0x26d: {  	[tilespmem:v62+s2+$0x0] =	vst.idx.add.f32.msk $0xffff, v28;
	v29 =	vadd.s32 v4, v54  }
0x26e: {  	v26 =	vld.idx.msk [tilespmem:v31+s21+$0x0], $0xffff;
	v31 =	vadd.s32 v6, v35  }
0x26f: {  	v24 =	vor.u32 v5, v25;
	v19 =	vld.idx.msk [tilespmem:v19+s21+$0x0], $0xffff  }
0x270: {  	v63 =	vadd.s32 v6, v14;
	v16 =	vld.idx.msk [tilespmem:v16+s21+$0x0], $0xffff  }
0x271: {  	v13 =	vor.u32 v7, v13;
	[tilespmem:v23+s2+$0x0] =	vst.idx.add.f32.msk $0xffff, v27  }
0x272: {  	v28 =	vadd.s32 v6, v18;
	[tilespmem:v29+s2+$0x0] =	vst.idx.add.f32.msk $0xffff, v36  }
0x273: {  	v23 =	vor.u32 v5, v17;
	[tilespmem:v31+s2+$0x0] =	vst.idx.add.f32.msk $0xffff, v26  }
0x274: {  	v27 =	vadd.s32 v6, v11;
	v24 =	vld.idx.msk [tilespmem:v24+s21+$0x0], $0xffff  }
0x275: {  	v21 =	vor.u32 v7, v21;
	[tilespmem:v63+s2+$0x0] =	vst.idx.add.f32.msk $0xffff, v19  }
0x276: {  	v26 =	vld.idx.msk [tilespmem:v13+s21+$0x0], $0x1;
	v31 =	vadd.s32 v6, v10  }
0x277: {  	[tilespmem:v28+s2+$0x0] =	vst.idx.add.f32.msk $0xffff, v16;
	v16 =	vor.u32 v5, v12  }
0x278: {  	v19 =	vld.idx.msk [tilespmem:v23+s21+$0x0], $0xffff;
	v23 =	vor.u32 v7, v20  }
0x279: {  	v29 =	vadd.s32 v6, v30;
	[tilespmem:v27+s2+$0x0] =	vst.idx.add.f32.msk $0xffff, v24  }
0x27a: {  	v27 =	vld.idx.msk [tilespmem:v21+s21+$0x0], $0x1;
	v21 =	vor.u32 v7, v25  }
0x27b: {  	[tilespmem:v31+s2+$0x0] =	vst.idx.add.f32.msk $0xffff, v34  }
0x27c: {  	v15 =	vadd.s32 v8, v15;
	v13 =	vadd.s32 v8, v14;
	v28 =	vadd.s32 v8, v35;
	v20 =	vld.idx.msk [tilespmem:v16+s21+$0x0], $0xffff  }
0x27d: {  	v14 =	vadd.s32 v6, v54;
	v12 =	vor.u32 v7, v12;
	v25 =	vadd.s32 v8, v18;
	v16 =	vld.idx.msk [tilespmem:v23+s21+$0x0], $0x1  }
0x27e: {  	v18 =	vor.u32 v7, v17;
	v17 =	vor.u32 v7, v22;
	[tilespmem:v29+s2+$0x0] =	vst.idx.add.f32.msk $0xffff, v19  }
0x27f: {  	s29 =	simm.s32 $0x8;
	v24 =	vadd.s32 v8, v30;
	v22 =	vadd.s32 v8, v54;
	v19 =	vor.u32 v7, v33;
	v21 =	vld.idx.msk [tilespmem:v21+s21+$0x0], $0x1  }
.LBB2_15:
0x280: {  	s1 =	sadd.s32 $0x1, s29  }
0x281: {  	v23 =	vmov s29;
	v29 =	vor.u32 s29, v9;
	s28 =	sadd.s32 $0x6, s29;
	[tilespmem:v28+s2+$0x0] =	vst.idx.add.f32.msk $0x1, v27;
	v11 =	vadd.s32 v8, v11;
	s9 =	smov.u32 s29;
	s26 =	sadd.s32 $0x8, s29  }
0x282: {  	p3 =	slt.u32 s29, $0xF8;
	v27 =	vand.u32 $0x78, v23;
	v28 =	vor.u32 s1, v9;
	s13 =	sadd.s32 $0x2, s9;
	v30 =	vmov s28;
	[tilespmem:v15+s2+$0x0] =	vst.idx.add.f32.msk $0x1, v26  }
0x283: {  	v15 =	vshll.u32 v23, $0x3;
	s22 =	sadd.s32 $0x3, s9;
	v23 =	vor.u32 s13, v9;
	v26 =	vshll.u32 v30, $0x3;
	v31 =	vld.idx.msk [tilespmem:v18+s21+$0x0], $0x1  }
0x284: {  	s29 =	sadd.s32 $0x4, s9;
	v15 =	vand.u32 $0x400, v15;
	v18 =	vand.u32 $0x7E, v30;
	v26 =	vand.u32 $0x400, v26;
	[tilespmem:v14+s2+$0x0] =	vst.idx.add.f32.msk $0xffff, v20  }
0x285: {  	v15 =	vor.u32 v27, v15;
	v20 =	vmov s13;
	s13 =	sadd.s32 $0x5, s9;
	v14 =	vor.u32 v18, v26;
	v27 =	vld.idx.msk [tilespmem:v19+s21+$0x0], $0x1  }
0x286: {  	v26 =	vmov s1;
	v18 =	vor.u32 s13, v9;
	v19 =	vor.u32 v1, v14;
	v12 =	vld.idx.msk [tilespmem:v12+s21+$0x0], $0x1  }
0x287: {  	v32 =	vmov s22;
	v30 =	vand.u32 $0x7A, v20;
	v33 =	vmov s13;
	[tilespmem:v13+s2+$0x0] =	vst.idx.add.f32.msk $0x1, v16  }
0x288: {  	v34 =	vmov s29;
	v20 =	vshll.u32 v20, $0x3;
	s1 =	sadd.s32 $0x7, s9;
	v13 =	vshll.u32 v33, $0x3;
	v35 =	vld.idx.msk [tilespmem:v17+s21+$0x0], $0x1  }
0x289: {  	v17 =	vand.u32 $0x7D, v33;
	v33 =	vand.u32 $0x400, v13;
	v16 =	vld.idx.msk [tilespmem:v29+s15+$0x0], $0xffff;
	v29 =	vshll.u32 v34, $0x3  }
0x28a: {  	v34 =	vand.u32 $0x7C, v34;
	v17 =	vor.u32 v17, v33;
	v13 =	vld.idx.msk [tilespmem:v23+s15+$0x0], $0xffff;
	v23 =	vshll.u32 v32, $0x3  }
0x28b: {  	v37 =	vmov s1;
	v33 =	vor.u32 v1, v15;
	v36 =	vor.u32 v1, v17;
	v18 =	vld.idx.msk [tilespmem:v18+s15+$0x0], $0xffff  }
0x28c: {  	v38 =	vor.u32 s22, v9;
	v20 =	vand.u32 $0x400, v20;
	v40 =	vor.u32 s1, v9;
	v39 =	vld.idx.msk [tilespmem:v19+s21+$0x0], $0xffff  }
0x28d: {  	v41 =	vshll.u32 v26, $0x3;
	v32 =	vand.u32 $0x7B, v32;
	v19 =	vld.idx.msk [tilespmem:v28+s15+$0x0], $0xffff;
	v28 =	vand.u32 $0x79, v26  }
0x28e: {  	v20 =	vor.u32 v30, v20;
	v26 =	vand.u32 $0x400, v29;
	v29 =	vadd.s32 v8, v10;
	[tilespmem:v24+s2+$0x0] =	vst.idx.add.f32.msk $0x1, v31  }
0x28f: {  	v10 =	vshll.u32 v37, $0x3;
	v30 =	vadd.s32 v2, v16;
	v26 =	vor.u32 v34, v26;
	[tilespmem:v11+s2+$0x0] =	vst.idx.add.f32.msk $0x1, v21  }
0x290: {  	v31 =	vor.u32 s28, v9;
	v10 =	vand.u32 $0x400, v10;
	v11 =	vand.u32 $0x7F, v37;
	[tilespmem:v22+s2+$0x0] =	vst.idx.add.f32.msk $0x1, v12  }
0x291: {  	v34 =	vor.u32 v3, v15;
	v12 =	vand.u32 $0x400, v41;
	v24 =	vor.u32 v11, v10;
	v33 =	vld.idx.msk [tilespmem:v33+s21+$0x0], $0xffff  }
0x292: {  	v21 =	vor.u32 v28, v12;
	v28 =	vor.u32 v1, v20;
	v12 =	vor.u32 v7, v14;
	v10 =	vld.idx.msk [tilespmem:v38+s15+$0x0], $0xffff  }
0x293: {  	v37 =	vor.u32 s29, v9;
	v11 =	vand.u32 $0x400, v23;
	[tilespmem:v25+s2+$0x0] =	vst.idx.add.f32.msk $0x1, v35  }
0x294: {  	v22 =	vor.u32 v32, v11;
	v25 =	vor.u32 v1, v24;
	v11 =	vld.idx.msk [tilespmem:v40+s15+$0x0], $0xffff  }
0x295: {  	v32 =	vor.u32 v1, v22;
	v23 =	vld.idx.msk [tilespmem:v31+s15+$0x0], $0xffff  }
0x296: {  	v35 =	vor.u32 v1, v21;
	v31 =	vadd.s32 v4, v16;
	[tilespmem:v29+s2+$0x0] =	vst.idx.add.f32.msk $0x1, v27  }
0x297: {  	v27 =	vld.idx.msk [tilespmem:v28+s21+$0x0], $0xffff;
	v28 =	vadd.s32 v2, v18  }
0x298: {  	v29 =	vld.idx.msk [tilespmem:v37+s15+$0x0], $0xffff;
	v37 =	vor.u32 v1, v26  }
0x299: {  	v38 =	vadd.s32 v2, v13;
	v36 =	vld.idx.msk [tilespmem:v36+s21+$0x0], $0xffff  }
0x29a: {  	v41 =	vor.u32 v3, v17;
	v40 =	vor.u32 v3, v20;
	v42 =	vadd.s32 v2, v11;
	v32 =	vld.idx.msk [tilespmem:v32+s21+$0x0], $0xffff  }
0x29b: {  	v44 =	vor.u32 v3, v24;
	v43 =	vadd.s32 v2, v10;
	v35 =	vld.idx.msk [tilespmem:v35+s21+$0x0], $0xffff  }
0x29c: {  	[tilespmem:v30+s2+$0x0] =	vst.idx.add.f32.msk $0xffff, v33;
	v30 =	vor.u32 v3, v22;
	v33 =	vadd.s32 v2, v23  }
0x29d: {  	v34 =	vld.idx.msk [tilespmem:v34+s21+$0x0], $0xffff  }
0x29e: {  	v45 =	vadd.s32 v2, v19;
	v46 =	vadd.s32 v2, v29;
	v37 =	vld.idx.msk [tilespmem:v37+s21+$0x0], $0xffff  }
0x29f: {  	v25 =	vld.idx.msk [tilespmem:v25+s21+$0x0], $0xffff  }
0x2a0: {  	v47 =	vadd.s32 v4, v13;
	[tilespmem:v43+s2+$0x0] =	vst.idx.add.f32.msk $0xffff, v32  }
0x2a1: {  	[tilespmem:v38+s2+$0x0] =	vst.idx.add.f32.msk $0xffff, v27  }
0x2a2: {  	v27 =	vadd.s32 v4, v18;
	[tilespmem:v33+s2+$0x0] =	vst.idx.add.f32.msk $0xffff, v39  }
0x2a3: {  	v32 =	vor.u32 v3, v21;
	[tilespmem:v45+s2+$0x0] =	vst.idx.add.f32.msk $0xffff, v35  }
0x2a4: {  	v33 =	vor.u32 v3, v26;
	v35 =	vadd.s32 v4, v29;
	[tilespmem:v28+s2+$0x0] =	vst.idx.add.f32.msk $0xffff, v36  }
0x2a5: {  	v28 =	vld.idx.msk [tilespmem:v41+s21+$0x0], $0xffff  }
0x2a6: {  	v30 =	vld.idx.msk [tilespmem:v30+s21+$0x0], $0xffff  }
0x2a7: {  	v36 =	vor.u32 v3, v14;
	[tilespmem:v42+s2+$0x0] =	vst.idx.add.f32.msk $0xffff, v25  }
0x2a8: {  	[tilespmem:v46+s2+$0x0] =	vst.idx.add.f32.msk $0xffff, v37  }
0x2a9: {  	v25 =	vadd.s32 v4, v10;
	v33 =	vld.idx.msk [tilespmem:v33+s21+$0x0], $0xffff  }
0x2aa: {  	v37 =	vld.idx.msk [tilespmem:v44+s21+$0x0], $0xffff  }
0x2ab: {  	v38 =	vor.u32 v5, v22;
	v32 =	vld.idx.msk [tilespmem:v32+s21+$0x0], $0xffff  }
0x2ac: {  	v36 =	vld.idx.msk [tilespmem:v36+s21+$0x0], $0xffff  }
0x2ad: {  	v39 =	vor.u32 v5, v15;
	v40 =	vld.idx.msk [tilespmem:v40+s21+$0x0], $0xffff  }
0x2ae: {  	[tilespmem:v25+s2+$0x0] =	vst.idx.add.f32.msk $0xffff, v30  }
0x2af: {  	v25 =	vor.u32 v5, v20;
	[tilespmem:v27+s2+$0x0] =	vst.idx.add.f32.msk $0xffff, v28  }
0x2b0: {  	v27 =	vadd.s32 v4, v19;
	v30 =	vld.idx.msk [tilespmem:v38+s21+$0x0], $0xffff  }
0x2b1: {  	[tilespmem:v31+s2+$0x0] =	vst.idx.add.f32.msk $0xffff, v34  }
0x2b2: {  	v31 =	vor.u32 v5, v26;
	v28 =	vld.idx.msk [tilespmem:v39+s21+$0x0], $0xffff  }
0x2b3: {  	v34 =	vor.u32 v5, v17;
	[tilespmem:v47+s2+$0x0] =	vst.idx.add.f32.msk $0xffff, v40  }
0x2b4: {  	v38 =	vadd.s32 v6, v16;
	v25 =	vld.idx.msk [tilespmem:v25+s21+$0x0], $0xffff  }
0x2b5: {  	[tilespmem:v27+s2+$0x0] =	vst.idx.add.f32.msk $0xffff, v32;
	v27 =	vadd.s32 v4, v11  }
0x2b6: {  	v32 =	vor.u32 v5, v24;
	[tilespmem:v35+s2+$0x0] =	vst.idx.add.f32.msk $0xffff, v33  }
0x2b7: {  	v33 =	vadd.s32 v4, v23;
	v31 =	vld.idx.msk [tilespmem:v31+s21+$0x0], $0xffff  }
0x2b8: {  	v35 =	vadd.s32 v6, v29;
	v34 =	vld.idx.msk [tilespmem:v34+s21+$0x0], $0xffff  }
0x2b9: {  	[tilespmem:v38+s2+$0x0] =	vst.idx.add.f32.msk $0xffff, v28;
	v28 =	vadd.s32 v6, v18  }
0x2ba: {  	v38 =	vadd.s32 v6, v13;
	[tilespmem:v27+s2+$0x0] =	vst.idx.add.f32.msk $0xffff, v37  }
0x2bb: {  	v27 =	vor.u32 v5, v21;
	v32 =	vld.idx.msk [tilespmem:v32+s21+$0x0], $0xffff  }
0x2bc: {  	[tilespmem:v33+s2+$0x0] =	vst.idx.add.f32.msk $0xffff, v36;
	v33 =	vadd.s32 v6, v11  }
0x2bd: {  	v26 =	vor.u32 v7, v26;
	[tilespmem:v35+s2+$0x0] =	vst.idx.add.f32.msk $0xffff, v31  }
0x2be: {  	v15 =	vor.u32 v7, v15;
	[tilespmem:v28+s2+$0x0] =	vst.idx.add.f32.msk $0xffff, v34  }
0x2bf: {  	v14 =	vor.u32 v5, v14;
	[tilespmem:v38+s2+$0x0] =	vst.idx.add.f32.msk $0xffff, v25  }
0x2c0: {  	v25 =	vor.u32 v7, v20;
	v31 =	vld.idx.msk [tilespmem:v27+s21+$0x0], $0xffff  }
0x2c1: {  	v34 =	vadd.s32 v6, v19;
	[tilespmem:v33+s2+$0x0] =	vst.idx.add.f32.msk $0xffff, v32  }
0x2c2: {  	v32 =	vor.u32 v7, v24;
	v27 =	vld.idx.msk [tilespmem:v26+s21+$0x0], $0x1  }
0x2c3: {  	v33 =	vadd.s32 v6, v10;
	v26 =	vld.idx.msk [tilespmem:v15+s21+$0x0], $0x1  }
.Ltmp12:
0x2c4: {  	v28 =	vadd.s32 v8, v29;
	v20 =	vld.idx.msk [tilespmem:v14+s21+$0x0], $0xffff;
	(pc) =	sbr.rel @p3 .LBB2_15-.Ltmp12, $4  }
0x2c5: {  	v15 =	vadd.s32 v8, v16;
	v16 =	vld.idx.msk [tilespmem:v25+s21+$0x0], $0x1;
	v25 =	vadd.s32 v8, v18  }
0x2c6: {  	v17 =	vor.u32 v7, v17;
	v18 =	vor.u32 v7, v21;
	[tilespmem:v34+s2+$0x0] =	vst.idx.add.f32.msk $0xffff, v31  }
0x2c7: {  	v13 =	vadd.s32 v8, v13;
	v24 =	vadd.s32 v8, v19;
	v14 =	vadd.s32 v6, v23;
	v21 =	vld.idx.msk [tilespmem:v32+s21+$0x0], $0x1  }
0x2c8: {  	s29 =	smov.u32 s26;
	v19 =	vor.u32 v7, v22;
	v22 =	vadd.s32 v8, v23;
	[tilespmem:v33+s2+$0x0] =	vst.idx.add.f32.msk $0xffff, v30  }
0x2c9: {  	_ =	sdelay $0x3  }
0x2ca: {  	[tilespmem:v28+s2+$0x0] =	vst.idx.add.f32.msk $0x1, v27  }
0x2cb: {  	[tilespmem:v15+s2+$0x0] =	vst.idx.add.f32.msk $0x1, v26  }
0x2cc: {  	v9 =	vld.idx.msk [tilespmem:v18+s21+$0x0], $0x1  }
0x2cd: {  	[tilespmem:v14+s2+$0x0] =	vst.idx.add.f32.msk $0xffff, v20  }
0x2ce: {  	v11 =	vadd.s32 v8, v11;
	v62 =	vld.idx.msk [tilespmem:v19+s21+$0x0], $0x1  }
0x2cf: {  	v63 =	vld.idx.msk [tilespmem:v17+s21+$0x0], $0x1  }
0x2d0: {  	v10 =	vadd.s32 v8, v10;
	v12 =	vld.idx.msk [tilespmem:v12+s21+$0x0], $0x1  }
0x2d1: {  	[tilespmem:v13+s2+$0x0] =	vst.idx.add.f32.msk $0x1, v16  }
.Ltmp13:
0x2d2: {  	[tilespmem:v24+s2+$0x0] =	vst.idx.add.f32.msk $0x1, v9;
	(pc) =	sbr.rel .LBB2_17-.Ltmp13, $4  }
0x2d3: {  	[tilespmem:v11+s2+$0x0] =	vst.idx.add.f32.msk $0x1, v21  }
0x2d4: {  	[tilespmem:v25+s2+$0x0] =	vst.idx.add.f32.msk $0x1, v63  }
0x2d5: {  	[tilespmem:v10+s2+$0x0] =	vst.idx.add.f32.msk $0x1, v62  }
0x2d6: {  	[tilespmem:v22+s2+$0x0] =	vst.idx.add.f32.msk $0x1, v12  }
.LBB2_20:
0x2d7: {  	_ =	sfence.sel $0x180000  }
0x2d8: {  	[bflag:$0x0] =	sbarrier.arrive $0xFFFF  }
0x2d9: {  	_ =	strace $0x9000004A  }
0x2da: {  	s0 =	stileid.u32;
	[bflag:$0x2] =	sbarrier.arrive $0xFFFF  }
0x2db: {  	p0 =	sne.s32 s0, $0x0;
	s0 =	rddreg [dreg:$0x2]  }
0x2dc: {  	s0 =	sadd.s32 @!p0 $0x100000, s0  }
0x2dd: {  	[sflag:s0] =	ssyncadd.tile.s32 @!p0 $0x1;
	_ =	shalt  }
.Lfunc_end2:
_tile_overlayer_lowered:
.L_overlay_start_2:
0x2de: {  	(tag) =	ssettag $0x2  }
0x2df: {  	s0 =	rddreg [dreg:$0x0];
	s2 =	stileid.u32  }
0x2e0: {  	s1 =	rddreg [dreg:$0x1];
	p0 =	sne.s32 s2, $0x0  }
0x2e1: {  	s3 =	rddreg [dreg:$0x2];
	[bflag:$0x3] =	sbarrier.arrive $0xFFFF;
	s2 =	simm.s32 @!p0 $0x1C04  }
0x2e2: {  	[timem:s3], [sflag:s2] =	dma.local @!p0 [hbm:s0], s1  }
0x2e3: {  	s0 =	simm.s32 @!p0 $0x4  }
0x2e4: {  	_ =	swait.ge @!p0 [sflag:s0], s1  }
0x2e5: {  	s1 =	ssub.s32 @!p0 $0x0, s1;
	[sflag:s0] =	ssyncset.done @!p0 $0x0  }
0x2e6: {  	[sflag:s0] =	ssyncadd.s32 @!p0 s1  }
0x2e7: {  	[bflag:$0x3] =	sbarrier.arrive $0xFFFF  }
0x2e8: {  	_ =	shalt  }

// kernel: sparse-core-data-format-call.cloned.1.call-start
scs
called_computation_lowered:
.L_overlay_start_0:
0x0: {  	s2 =	sld [smem:$0x3FD9]  }
0x1: {  	s3 =	sld [smem:$0x3FFE];
	_ =	sdelay $0x1  }
0x2: {  	s1 =	srdreg.scid  }
0x3: {  	s0 =	sand.u32 $0x1, s1  }
0x4: {  	s18 =	sshll.u32 s0, $0xA;
	s2 =	sadd.s32 s3, s2  }
0x5: {  	s2 =	sadd.s32 s2, s18  }
0x6: {  	[smem:$0x3FC6] =	sst s2  }
0x7: {  	_ = 	snop  }
0x8: {  	s2 =	sld [smem:$0x3FC9];
	(tm) =	ssettm $0x1  }
0x9: {  	s19 =	sld [smem:$0x3FFB];
	_ =	sdelay $0x3  }
0xa: {  	_ =	strace s19  }
0xb: {  	s3 =	sld [smem:$0x3FFC];
	_ =	sdelay $0x3  }
0xc: {  	_ =	strace s3  }
0xd: {  	s3 =	sld [smem:$0x3FFD];
	_ =	sdelay $0x3  }
0xe: {  	_ =	strace s3  }
0xf: {  	_ =	strace $0x8FFFFFFF  }
0x10: {  	s20 =	sld [smem:$0x3FDB];
	_ =	sdelay $0x1  }
0x11: {  	s4 =	simm.s32 $_scs_section_size  }
0x12: {  	s5 =	simm.s32 $_size__tile_overlayer_lowered;
	s6 =	simm.s32 $_tile_overlayer_lowered  }
0x13: {  	s23 =	simm.s32 $0x1BFF;
	s22 =	sshll.u32 s6, $0x1;
	s3 =	sadd.s32 s4, s20  }
0x14: {  	s7 =	simm.s32 $0x0;
	s21 =	sshll.u32 s5, $0x1;
	s5 =	sadd.s32 s22, s3  }
0x15: {  	[timem:s7], [sflag:s23] =	dma.local [hbm:s5], s21  }
0x16: {  	_ =	swait.ge [sflag:s23], s21  }
0x17: {  	s4 =	ssub.s32 $0x0, s21;
	[sflag:s23] =	ssyncset.done $0x0  }
0x18: {  	[sflag:s23] =	ssyncadd.s32 s4;
	_ =	sdelay $0x1  }
0x19: {  	s24 =	simm.s32 $0x1B8B  }
0x1a: {  	_ =	swait.ge [sflag:s24], $0x1  }
0x1b: {  	[sflag:s24] =	ssyncset.done $0x0  }
0x1c: {  	s26 =	simm.s32 $0x1B8E;
	s25 =	sld [smem:$0x3FFE];
	[sflag:s24] =	ssyncadd.s32 $0xFFFFFFFF  }
0x1d: {  	s27 =	simm.s32 $execute0_lowered;
	[smem:$0x3FD2] =	sst s26  }
0x1e: {  	s5 =	sshll.u32 s27, $0x1;
	_ =	strace $0x80000046;
	[dreg:$0x1] =	wrdreg $0xFFFFFFFF  }
0x1f: {  	s28 =	simm.s32 $_size_execute0_lowered;
	s3 =	sadd.s32 s3, s5;
	[dreg:$0x0] =	wrdreg $0x0  }
0x20: {  	s5 =	sshll.u32 s28, $0x1;
	[dreg:$0x2] =	wrdreg s3  }
0x21: {  	[dreg:$0x3] =	wrdreg s5  }
0x22: {  	[dreg:$0x4] =	wrdreg $0xC0  }
0x23: {  	_ =	task [dreg:s7], $0x5FFFF  }
0x24: {  	[dreg:$0x1] =	wrdreg $0xFFFFFFFF  }
0x25: {  	[dreg:$0x0] =	wrdreg $0x60  }
0x26: {  	[dreg:$0x2] =	wrdreg s2  }
0x27: {  	[dreg:$0x3] =	wrdreg s25  }
0x28: {  	[dreg:$0x4] =	wrdreg $0x9  }
0x29: {  	_ =	task.clear_ibuf [dreg:s7], $0x5FFFF;
	_ =	strace $0x90000046  }
0x2a: {  	s29 =	simm.s32 $0x9;
	_ =	strace $0x80000048  }
0x2b: {  	_ =	swait.ge [sflag:s29], $0x1  }
0x2c: {  	[sflag:s29] =	ssyncadd.s32 $0xFFFFFFFF  }
0x2d: {  	_ =	strace $0x90000048  }
0x2e: {  	_ =	sfence  }
0x2f: {  	s30 =	sld [smem:$0x0];
	_ =	sdelay $0x2  }
0x30: {  	s31 =	sshll.u32 s1, $0xD;
	s1 =	sshrl.u32 s1, $0x2  }
0x31: {  	s3 =	sand.u32 $0x4000, s31;
	s1 =	sadd.s32 s1, s30  }
0x32: {  	s0 =	sor.u32 s3, s0;
	s1 =	sshll.u32 s1, $0x11  }
0x33: {  	s0 =	sor.u32 s1, s0  }
0x34: {  	s0 =	sadd.s32 $0x8F2B, s0  }
0x35: {  	[sflag:s0] =	ssyncadd.remote.s32 $0x1  }
0x36: {  	_ =	sfence.sel $0xFFFF  }
0x37: {  	[dreg:$0x0] =	wrdreg $0xFFFFFFFF;
	(pc) =	sbr.abs _section_cstart, $3  }
0x38: {  	[dreg:$0x1] =	wrdreg $0xFFFFFFFF  }
0x39: {  	_ =	task.clear_ibuf [dreg:s7], $0x2FFFF;
	_ =	strace $0x9FFFFFFF  }
0x3a: {  	(tm) =	ssettm $0x7FFFFFFF  }
0x3b: {  	_ =	shalt  }
tec
execute0_lowered:
.L_overlay_start_1:
0x0: {  	(tag) =	ssettag $0x1  }
0x1: {  	s0 =	stileid.u32;
	s1 =	srdreg.scid  }
0x2: {  	s2 =	sshll.u32 s0, $0xA;
	s1 =	sshll.u32 s1, $0xE  }
0x3: {  	s1 =	sor.u32 s2, s1  }
0x4: {  	s1 =	sand.u32 $0x7800, s1  }
0x5: {  	s31 =	rddreg [dreg:$0x1];
	s2 =	sand.u32 $0x1, s0;
	s3 =	ssub.s32 $0x10000, s1  }
0x6: {  	s8 =	simm.s32 $0x2;
	s4 =	ssub.s32 $0x2, s2;
	s5 =	sand.u32 $0x7800, s3  }
0x7: {  	s6 =	sshrl.u32 s4, $0x1;
	p0 =	sne.s32 s5, $0x0;
	s5 =	simm.s32 $0x1  }
0x8: {  	s7 =	sand.u32 $0x1, s4;
	s3 =	sshrl.u32 s3, $0xF;
	s5 =	simm.s32 @!p0 $0x0  }
0x9: {  	s14 =	simm.s32 $0x0;
	s6 =	sadd.s32 s7, s6;
	s3 =	sadd.s32 s5, s3  }
0xa: {  	s9 =	simm.s32 $0x0;
	s16 =	simm.s32 $0x0;
	s6 =	smul.u32 s3, s6  }
.Ltmp0:
0xb: {  	s15 =	simm.s32 $0x0;
	s11 =	simm.s32 $0x0;
	(pc) =	sbr.rel .LBB1_1-.Ltmp0, $4  }
0xc: {  	s13 =	simm.s32 $0x0;
	s4 =	rddreg [dreg:$0x0];
	s5 =	simm.s32 $0x1  }
0xd: {  	s3 =	rddreg [dreg:$0x2];
	_ =	strace $0x80000047;
	s6 =	smul.u32 $0x13, s6  }
0xe: {  	s12 =	smov.u32 s2;
	s10 =	smov.u32 s1;
	[sflag:s5] =	ssyncpa.u1 $0x0  }
0xf: {  	s7 =	sadd.s32 $0x800, s31;
	[sflag:s8] =	ssyncpa.u1 $0x0;
	s8 =	sadd.s32 $0x1, s6  }
.LBB1_7:
0x10: {  	s17 =	sadd.s32 $0x8000, s10  }
0x11: {  	s14 =	sadd.s32 $0x8, s11;
	s18 =	smov.u32 s11;
	p1 =	sgt.s32 s17, $0xFFFF  }
0x12: {  	s18 =	smov.u32 @p1 s14  }
0x13: {  	s20 =	smov.u32 s12;
	s14 =	sadd.s32 $0x2, s12;
	p2 =	sgt.s32 s18, $0x92  }
0x14: {  	s20 =	smov.u32 @p2 s14  }
0x15: {  	s17 =	smov.u32 @p1 s1;
	p1 =	sgt.s32 s20, $0x1  }
0x16: {  	p0 =	slt.u32 s13, $0x2;
	s20 =	smov.u32 @p1 s2;
	p1 =	sne.s32 s13, s8  }
.Ltmp1:
0x17: {  	s19 =	simm.s32 @!p0 $0x2;
	(pc) =	sbr.rel @!p1 .LBB1_8-.Ltmp1, $4  }
0x18: {  	s16 =	smov.u32 s11;
	s15 =	smov.u32 s12;
	_ =	swait.ge @!p0 [sflag:s19], $0x4000  }
0x19: {  	s9 =	sadd.s32 $0x4000, s9;
	[sflag:s19] =	ssyncset.done @!p0 $0x0;
	s18 =	simm.s32 @p2 $0x0  }
0x1a: {  	s14 =	smov.u32 s10;
	[sflag:s19] =	ssyncadd.s32 @!p0 $0xFFFFC000;
	s10 =	smov.u32 s17  }
0x1b: {  	s11 =	smov.u32 s18;
	s13 =	sadd.s32 $0x1, s13;
	s12 =	smov.u32 s20  }
.LBB1_1:
0x1c: {  	p0 =	sge.u32 s13, s6  }
0x1d: {  	s18 =	smov.u32 s12;
	p1 =	sgt.s32 @!p0 s12, $0x1;
	s17 =	sshra.s32 @!p0 s12, $0x1F  }
0x1e: {  	s20 =	smov.u32 s10;
	p1 =	por !p1, p0;
	s17 =	sand.u32 @!p0 s17, s12  }
0x1f: {  	s18 =	simm.s32 @p1 $0x1;
	s17 =	sxor.u32 @!p0 $0xFFFFFFFF, s17;
	p1 =	sgt.s32 @!p0 s11, $0x8B  }
0x20: {  	s17 =	sadd.s32 @!p0 s17, s18;
	p1 =	por !p1, p0;
	s18 =	smov.u32 s11  }
0x21: {  	s19 =	sshra.s32 @!p0 s11, $0x1F;
	s18 =	simm.s32 @p1 $0x8B;
	p1 =	sgt.s32 @!p0 s17, $0x0  }
0x22: {  	s19 =	sand.u32 @!p0 s19, s11;
	s17 =	ssub.s32 @!p0 $0x1, s17;
	p1 =	por !p1, p0  }
0x23: {  	s18 =	ssub.s32 @!p0 s18, s19;
	s17 =	simm.s32 @!p1 $0x0;
	p1 =	sgt.s32 @!p0 s10, $0xF800  }
0x24: {  	s21 =	sshra.s32 @!p0 s10, $0x1F;
	s19 =	sadd.s32 @!p0 $0xFFFFFF75, s18;
	p1 =	por !p1, p0  }
0x25: {  	s20 =	simm.s32 @p1 $0xF800;
	p1 =	sgt.s32 @!p0 s19, $0x7;
	s19 =	sand.u32 @!p0 s21, s10  }
0x26: {  	s18 =	ssub.s32 @!p0 $0x93, s18;
	p1 =	por !p1, p0;
	s19 =	ssub.s32 @!p0 s20, s19  }
0x27: {  	s20 =	sxor.u32 @!p0 $0xFFFFFFFF, s13;
	s18 =	simm.s32 @!p1 $0x0;
	s21 =	sadd.s32 @!p0 $0xFFFF0800, s19  }
0x28: {  	s20 =	sshll.u32 @!p0 s20, $0xE;
	s17 =	smul.u32 @!p0 s17, s18;
	p1 =	sgt.s32 @!p0 s21, $0x7FF  }
0x29: {  	s18 =	ssub.s32 @!p0 $0x10000, s19;
	s19 =	smul.u32 @!p0 $0x126000, s12;
	p1 =	por !p1, p0  }
0x2a: {  	s31 =	sadd.s32 $0xFFFFFFFF, s13;
	s20 =	sand.u32 @!p0 $0x4000, s20;
	s18 =	simm.s32 @!p1 $0x0  }
0x2b: {  	s19 =	sadd.s32 @!p0 s4, s19;
	s17 =	smul.u32 @!p0 s18, s17;
	s18 =	sshll.u32 @!p0 s11, $0xD  }
0x2c: {  	s21 =	sshrl.u32 @!p0 s10, $0x3;
	s18 =	sadd.s32 @!p0 s18, s19;
	s19 =	sand.u32 @!p0 $0x7, s10  }
0x2d: {  	s21 =	sand.u32 @!p0 $0x1FFF, s21;
	s17 =	sand.u32 @!p0 $0x3FFFFFFF, s17;
	s19 =	sshll.u32 @!p0 s19, $0x12  }
0x2e: {  	s18 =	sadd.s32 @!p0 s21, s18;
	s21 =	simm.s32 @!p0 $0x10000;
	s19 =	sor.u32 @!p0 $0x800, s19  }
0x2f: {  	[tilespmem:s20], [sflag:$0x1] =	stream.strided.gather @!p0 [hbm4b:s18+s19], s17, s21, s19, $0x38;
	[tilespmem:$0x10000] =	vst v63  }
0x30: {  	p0 =	sge.u32 s31, s6  }
.Ltmp2:
0x31: {  	_ = 	snop;
	(pc) =	sbr.rel @p0 .LBB1_7-.Ltmp2, $1  }
0x32: {  	_ =	sdelay $0x3  }
0x33: {  	s17 =	sshra.s32 s15, $0x1F;
	p0 =	sgt.s32 s15, $0x1;
	s18 =	smov.u32 s15  }
0x34: {  	p1 =	sgt.s32 s16, $0x8B;
	s19 =	sshra.s32 s16, $0x1F;
	s17 =	sand.u32 s17, s15  }
0x35: {  	s20 =	sshra.s32 s14, $0x1F;
	s18 =	simm.s32 @!p0 $0x1;
	s17 =	sxor.u32 $0xFFFFFFFF, s17  }
0x36: {  	s19 =	sand.u32 s19, s16;
	s17 =	sadd.s32 s17, s18;
	s18 =	smov.u32 s16  }
0x37: {  	s20 =	sand.u32 s20, s14;
	p0 =	sgt.s32 s17, $0x0;
	s18 =	simm.s32 @!p1 $0x8B  }
0x38: {  	p1 =	sgt.s32 s14, $0xF800;
	s18 =	ssub.s32 s18, s19;
	s19 =	smov.u32 s14  }
0x39: {  	s17 =	ssub.s32 $0x1, s17;
	s21 =	sadd.s32 $0xFFFFFF75, s18;
	s19 =	simm.s32 @!p1 $0xF800  }
0x3a: {  	s18 =	ssub.s32 $0x93, s18;
	p1 =	sgt.s32 s21, $0x7;
	s19 =	ssub.s32 s19, s20  }
0x3b: {  	s17 =	simm.s32 @p0 $0x0;
	s18 =	simm.s32 @p1 $0x0;
	s20 =	sadd.s32 $0xFFFF0800, s19  }
0x3c: {  	s17 =	smul.u32 s17, s18;
	p0 =	sgt.s32 s20, $0x7FF;
	s18 =	ssub.s32 $0x10000, s19  }
0x3d: {  	s18 =	simm.s32 @p0 $0x0  }
0x3e: {  	s17 =	smul.u32 s18, s17;
	_ =	sdelay $0x1  }
0x3f: {  	s30 =	sand.u32 $0x4000, s9;
	s31 =	sshll.u32 s13, $0xE;
	s17 =	sand.u32 $0x3FFFFFFF, s17  }
0x40: {  	s19 =	sor.u32 $0x8800, s30;
	s20 =	sand.u32 $0x4000, s31;
	_ =	swait.ge [sflag:s5], s17  }
0x41: {  	s18 =	sor.u32 $0x100, s30;
	s17 =	ssub.s32 $0x0, s17;
	[sflag:s5] =	ssyncset.done $0x0  }
0x42: {  	[sflag:s5] =	ssyncadd.s32 s17;
	s17 =	sor.u32 $0x8000, s20;
	s20 =	simm.s32 $0x0  }
.LBB1_3:
0x43: {  	v0 =	vld [tilespmem:s18+$0xF0]  }
0x44: {  	v1 =	vld [tilespmem:s18+$0xFFFFFF10]  }
0x45: {  	v2 =	vld [tilespmem:s18+$0xFFFFFF20]  }
0x46: {  	v3 =	vld [tilespmem:s18+$0xFFFFFF30]  }
0x47: {  	v4 =	vld [tilespmem:s18+$0xFFFFFF40]  }
0x48: {  	v5 =	vld [tilespmem:s18+$0xFFFFFF50];
	[tilespmem:s19+$0x470] =	vst v0  }
0x49: {  	[tilespmem:s19+$0xFFFFF810] =	vst v1;
	v0 =	vld [tilespmem:s18+$0xFFFFFF60]  }
0x4a: {  	[tilespmem:s19+$0xFFFFF820] =	vst v2;
	v1 =	vld [tilespmem:s18+$0xFFFFFF70]  }
0x4b: {  	[tilespmem:s19+$0xFFFFF830] =	vst v3;
	v2 =	vld [tilespmem:s18+$0xFFFFFF80]  }
0x4c: {  	[tilespmem:s19+$0xFFFFF840] =	vst v4;
	v3 =	vld [tilespmem:s18+$0xFFFFFF90]  }
0x4d: {  	[tilespmem:s19+$0xFFFFF850] =	vst v5;
	v4 =	vld [tilespmem:s18+$0xFFFFFFA0]  }
0x4e: {  	v5 =	vld [tilespmem:s18+$0xA0];
	[tilespmem:s19+$0xFFFFF860] =	vst v0  }
0x4f: {  	v0 =	vld [tilespmem:s18+$0xFFFFFFB0];
	[tilespmem:s19+$0xFFFFF870] =	vst v1  }
0x50: {  	v1 =	vld [tilespmem:s18+$0xFFFFFFC0];
	[tilespmem:s19+$0xFFFFFC00] =	vst v2  }
0x51: {  	[tilespmem:s19+$0xFFFFFC10] =	vst v3;
	v3 =	vld [tilespmem:s18+$0xFFFFFFE0]  }
0x52: {  	[tilespmem:s19+$0xFFFFFC20] =	vst v4;
	v4 =	vld [tilespmem:s18+$0xFFFFFFF0]  }
0x53: {  	v2 =	vld [tilespmem:s18+$0xFFFFFFD0];
	[tilespmem:s19+$0x420] =	vst v5  }
0x54: {  	[tilespmem:s19+$0xFFFFFC30] =	vst v0;
	v0 =	vld [tilespmem:s18+$0x0]  }
0x55: {  	[tilespmem:s19+$0xFFFFFC40] =	vst v1;
	v1 =	vld [tilespmem:s18+$0x10]  }
0x56: {  	[tilespmem:s19+$0xFFFFFC60] =	vst v3;
	v3 =	vld [tilespmem:s18+$0x30]  }
0x57: {  	[tilespmem:s19+$0xFFFFFC70] =	vst v4;
	v4 =	vld [tilespmem:s18+$0x40]  }
0x58: {  	[tilespmem:s19+$0xFFFFFC50] =	vst v2;
	v2 =	vld [tilespmem:s18+$0x20]  }
0x59: {  	[tilespmem:s19+$0x0] =	vst v0;
	v0 =	vld [tilespmem:s18+$0x50]  }
0x5a: {  	[tilespmem:s19+$0x10] =	vst v1;
	v1 =	vld [tilespmem:s18+$0x60]  }
0x5b: {  	[tilespmem:s19+$0x30] =	vst v3;
	v3 =	vld [tilespmem:s18+$0x80]  }
0x5c: {  	[tilespmem:s19+$0x40] =	vst v4;
	v4 =	vld [tilespmem:s18+$0x90]  }
0x5d: {  	[tilespmem:s19+$0x20] =	vst v2;
	v2 =	vld [tilespmem:s18+$0x70]  }
0x5e: {  	[tilespmem:s19+$0x50] =	vst v0;
	v0 =	vld [tilespmem:s18+$0xB0]  }
0x5f: {  	[tilespmem:s19+$0x60] =	vst v1;
	v1 =	vld [tilespmem:s18+$0xC0]  }
0x60: {  	[tilespmem:s19+$0x400] =	vst v3;
	v3 =	vld [tilespmem:s18+$0xD0]  }
0x61: {  	[tilespmem:s19+$0x410] =	vst v4;
	v4 =	vld [tilespmem:s18+$0xE0]  }
0x62: {  	s22 =	simm.s32 $0x0;
	s23 =	sadd.s32 $0x200, s18;
	s21 =	smov.u32 s19;
	[tilespmem:s19+$0x70] =	vst v2;
	v2 =	vld [tilespmem:s18+$0xFFFFFF00]  }
.LBB1_4:
0x63: {  	v5 =	vld [tilespmem:s23+$0xF0];
	s22 =	sadd.s32 $0x200, s22;
	[tilespmem:s21+$0x430] =	vst v0  }
0x64: {  	v0 =	vld [tilespmem:s23+$0xFFFFFF10];
	p0 =	slt.u32 s22, $0x600;
	[tilespmem:s21+$0x440] =	vst v1  }
0x65: {  	v1 =	vld [tilespmem:s23+$0xFFFFFF20];
	[tilespmem:s21+$0x450] =	vst v3  }
0x66: {  	v3 =	vld [tilespmem:s23+$0xFFFFFF30];
	[tilespmem:s21+$0x460] =	vst v4  }
0x67: {  	v4 =	vld [tilespmem:s23+$0xFFFFFF40];
	[tilespmem:s21+$0xFFFFF800] =	vst v2;
	s21 =	sadd.s32 $0x1000, s21  }
0x68: {  	v2 =	vld [tilespmem:s23+$0xFFFFFF50];
	[tilespmem:s21+$0x470] =	vst v5  }
0x69: {  	[tilespmem:s21+$0xFFFFF810] =	vst v0;
	v0 =	vld [tilespmem:s23+$0xFFFFFF60]  }
0x6a: {  	[tilespmem:s21+$0xFFFFF820] =	vst v1;
	v1 =	vld [tilespmem:s23+$0xFFFFFF70]  }
0x6b: {  	[tilespmem:s21+$0xFFFFF830] =	vst v3;
	v3 =	vld [tilespmem:s23+$0xFFFFFF80]  }
0x6c: {  	[tilespmem:s21+$0xFFFFF840] =	vst v4;
	v4 =	vld [tilespmem:s23+$0xFFFFFF90]  }
0x6d: {  	[tilespmem:s21+$0xFFFFF850] =	vst v2;
	v2 =	vld [tilespmem:s23+$0xFFFFFFA0]  }
0x6e: {  	[tilespmem:s21+$0xFFFFF860] =	vst v0;
	v0 =	vld [tilespmem:s23+$0xFFFFFFB0]  }
0x6f: {  	[tilespmem:s21+$0xFFFFF870] =	vst v1;
	v1 =	vld [tilespmem:s23+$0xFFFFFFC0]  }
0x70: {  	[tilespmem:s21+$0xFFFFFC00] =	vst v3;
	v3 =	vld [tilespmem:s23+$0xFFFFFFD0]  }
0x71: {  	[tilespmem:s21+$0xFFFFFC10] =	vst v4;
	v4 =	vld [tilespmem:s23+$0xFFFFFFE0]  }
0x72: {  	[tilespmem:s21+$0xFFFFFC20] =	vst v2;
	v2 =	vld [tilespmem:s23+$0xFFFFFFF0]  }
0x73: {  	[tilespmem:s21+$0xFFFFFC30] =	vst v0;
	v0 =	vld [tilespmem:s23+$0x0]  }
0x74: {  	[tilespmem:s21+$0xFFFFFC40] =	vst v1;
	v1 =	vld [tilespmem:s23+$0x10]  }
0x75: {  	[tilespmem:s21+$0xFFFFFC50] =	vst v3;
	v3 =	vld [tilespmem:s23+$0x20]  }
0x76: {  	[tilespmem:s21+$0xFFFFFC60] =	vst v4;
	v4 =	vld [tilespmem:s23+$0x30]  }
0x77: {  	[tilespmem:s21+$0xFFFFFC70] =	vst v2;
	v2 =	vld [tilespmem:s23+$0x40]  }
0x78: {  	[tilespmem:s21+$0x0] =	vst v0;
	v0 =	vld [tilespmem:s23+$0x50]  }
0x79: {  	[tilespmem:s21+$0x10] =	vst v1;
	v1 =	vld [tilespmem:s23+$0x60]  }
0x7a: {  	[tilespmem:s21+$0x20] =	vst v3;
	v3 =	vld [tilespmem:s23+$0x70]  }
0x7b: {  	[tilespmem:s21+$0x30] =	vst v4;
	v4 =	vld [tilespmem:s23+$0x80]  }
0x7c: {  	[tilespmem:s21+$0x40] =	vst v2;
	v2 =	vld [tilespmem:s23+$0x90]  }
0x7d: {  	[tilespmem:s21+$0x50] =	vst v0;
	v5 =	vld [tilespmem:s23+$0xA0]  }
.Ltmp3:
0x7e: {  	[tilespmem:s21+$0x60] =	vst v1;
	v0 =	vld [tilespmem:s23+$0xB0];
	(pc) =	sbr.rel @p0 .LBB1_4-.Ltmp3, $4  }
0x7f: {  	[tilespmem:s21+$0x70] =	vst v3;
	v1 =	vld [tilespmem:s23+$0xC0]  }
0x80: {  	[tilespmem:s21+$0x400] =	vst v4;
	v3 =	vld [tilespmem:s23+$0xD0]  }
0x81: {  	[tilespmem:s21+$0x410] =	vst v2;
	v4 =	vld [tilespmem:s23+$0xE0]  }
0x82: {  	v2 =	vld [tilespmem:s23+$0xFFFFFF00];
	[tilespmem:s21+$0x420] =	vst v5;
	s23 =	sadd.s32 $0x200, s23  }
0x83: {  	s20 =	sadd.s32 $0x1, s20  }
0x84: {  	p0 =	sne.s32 s20, $0x8  }
.Ltmp4:
0x85: {  	[tilespmem:s21+$0x430] =	vst v0;
	(pc) =	sbr.rel @p0 .LBB1_3-.Ltmp4, $4  }
0x86: {  	[tilespmem:s21+$0x440] =	vst v1  }
0x87: {  	[tilespmem:s21+$0x450] =	vst v3  }
0x88: {  	[tilespmem:s21+$0x460] =	vst v4  }
0x89: {  	s18 =	sadd.s32 $0x800, s18;
	s19 =	sadd.s32 $0x80, s19;
	[tilespmem:s21+$0xFFFFF800] =	vst v2  }
0x8a: {  	s18 =	sshll.u32 s16, $0x10  }
0x8b: {  	s19 =	sshll.u32 s14, $0x3;
	s18 =	sand.u32 $0xFFF80000, s18  }
0x8c: {  	s18 =	sadd.s32 s18, s19  }
0x8d: {  	s18 =	sshrl.u32 s18, $0x10  }
0x8e: {  	s20 =	smul.u32 $0xD795, s18;
	_ =	sdelay $0x1  }
0x8f: {  	s30 =	sshll.u32 s16, $0x7;
	s20 =	sshrl.u32 s20, $0x17  }
0x90: {  	s21 =	sand.u32 $0x78, s14;
	s16 =	sand.u32 $0x380, s30;
	s20 =	smul.u32 $0x98, s20  }
0x91: {  	s15 =	smul.u32 $0x130000, s15;
	s16 =	sor.u32 s16, s21;
	s19 =	sand.u32 $0xFC00, s19  }
.Ltmp5:
0x92: {  	s16 =	sor.u32 s19, s16;
	s18 =	ssub.s32 s18, s20;
	(pc) =	sbr.rel .LBB1_7-.Ltmp5, $4  }
0x93: {  	s15 =	sadd.s32 s7, s15;
	s16 =	sshrl.u32 s16, $0x3;
	s18 =	sand.u32 $0xFFFF, s18  }
0x94: {  	s15 =	sadd.s32 s16, s15;
	s18 =	sshll.u32 s18, $0xD  }
0x95: {  	s31 =	sand.u32 $0x7, s14;
	s15 =	sadd.s32 s18, s15  }
0x96: {  	[hbm4b:s15+s31] =	stream.linear.scatter [tilespmem:s17], [sflag:$0x2], $0x4000, $0x38;
	[tilespmem:$0x10000] =	vst v63  }
.LBB1_8:
0x97: {  	_ =	sfence.sel $0x180000  }
0x98: {  	s1 =	simm.s32 $0x1;
	[bflag:$0x0] =	sbarrier.arrive $0xFFFF  }
0x99: {  	s31 =	simm.s32 $0x2;
	[sflag:s1] =	ssyncpa.u1 $0x1  }
0x9a: {  	[sflag:s31] =	ssyncpa.u1 $0x1  }
0x9b: {  	p0 =	sne.s32 s0, $0x0;
	_ =	strace $0x90000047  }
0x9c: {  	s0 =	sadd.s32 @!p0 $0x100000, s3;
	[bflag:$0x2] =	sbarrier.arrive $0xFFFF  }
0x9d: {  	[sflag:s0] =	ssyncadd.tile.s32 @!p0 $0x1;
	_ =	shalt  }
.Lfunc_end1:
_tile_overlayer_lowered:
.L_overlay_start_2:
0x9e: {  	(tag) =	ssettag $0x2  }
0x9f: {  	s0 =	rddreg [dreg:$0x0];
	s2 =	stileid.u32  }
0xa0: {  	s1 =	rddreg [dreg:$0x1];
	p0 =	sne.s32 s2, $0x0  }
0xa1: {  	s3 =	rddreg [dreg:$0x2];
	[bflag:$0x3] =	sbarrier.arrive $0xFFFF;
	s2 =	simm.s32 @!p0 $0x1C01  }
0xa2: {  	[timem:s3], [sflag:s2] =	dma.local @!p0 [hbm:s0], s1  }
0xa3: {  	s0 =	simm.s32 @!p0 $0x1  }
0xa4: {  	_ =	swait.ge @!p0 [sflag:s0], s1  }
0xa5: {  	s1 =	ssub.s32 @!p0 $0x0, s1;
	[sflag:s0] =	ssyncset.done @!p0 $0x0  }
0xa6: {  	[sflag:s0] =	ssyncadd.s32 @!p0 s1  }
0xa7: {  	[bflag:$0x3] =	sbarrier.arrive $0xFFFF  }
0xa8: {  	_ =	shalt  }

</sc_bundles>
